<compile_context>
chip_gen: v7x
topology: tpu7x:2x2x1
jax: 0.10.2.dev20260603
libtpu: 0.0.44.dev20260713+nightly
codegen_flags: <defaults>
</compile_context>

<pallas_src>
import functools

import jax
import jax.numpy as jnp
from jax import lax
from jax.experimental import pallas as pl
from jax.experimental.pallas import tpu as pltpu
from jax.experimental.pallas import tpu_sc as plsc



def _sc_gather(user_emb, small_tab, u_idx, g_idx, a_idx, o_idx):
    B = u_idx.shape[0]
    try:
        info = plsc.get_sparse_core_info()
        nc, ns = info.num_cores, info.num_subcores
    except Exception:
        nc, ns = 2, 16
    nw = nc * ns
    bpw = B // nw
    mesh = plsc.VectorSubcoreMesh(core_axis_name="c", subcore_axis_name="s")

    @functools.partial(
        pl.kernel,
        mesh=mesh,
        out_type=(jax.ShapeDtypeStruct((B, 128), jnp.float32),
                  jax.ShapeDtypeStruct((B, 128), jnp.float32)),
        scratch_types=[
            pltpu.VMEM((bpw,), jnp.int32),
            pltpu.VMEM((bpw,), jnp.int32),
            pltpu.VMEM((bpw,), jnp.int32),
            pltpu.VMEM((bpw,), jnp.int32),
            pltpu.VMEM((bpw,), jnp.int32),
            pltpu.VMEM((bpw, 128), jnp.float32),
            pltpu.SemaphoreType.DMA,
        ],
    )
    def g(ue_hbm, ts_hbm, ui_hbm, gi_hbm, ai_hbm, oi_hbm,
          ou_hbm, os_hbm, ui_v, gi_v, ai_v, oi_v, ji_v, r_v, sem):
        wid = lax.axis_index("s") * nc + lax.axis_index("c")
        base = wid * bpw
        pltpu.sync_copy(ui_hbm.at[pl.ds(base, bpw)], ui_v)
        cu = pltpu.async_copy(ue_hbm.at[ui_v], r_v, sem)
        pltpu.sync_copy(gi_hbm.at[pl.ds(base, bpw)], gi_v)
        pltpu.sync_copy(ai_hbm.at[pl.ds(base, bpw)], ai_v)
        pltpu.sync_copy(oi_hbm.at[pl.ds(base, bpw)], oi_v)

        def body(i, _):
            s = pl.ds(i * 16, 16)
            ji_v[s] = (gi_v[s] * 7 + ai_v[s]) * 21 + oi_v[s]
            return 0

        lax.fori_loop(0, bpw // 16, body, 0)
        cu.wait()
        pltpu.sync_copy(r_v, ou_hbm.at[pl.ds(base, bpw)])
        pltpu.async_copy(ts_hbm.at[ji_v], r_v, sem).wait()
        pltpu.sync_copy(r_v, os_hbm.at[pl.ds(base, bpw)])

    return g(user_emb, small_tab, u_idx, g_idx, a_idx, o_idx)



def _mlp_body(xu_ref, xs_ref,
              W1_ref, g1_ref, be1_ref,
              W2_ref, b2_ref, g2_ref, be2_ref,
              W3_ref, b3_ref, out_ref):
    x = jnp.concatenate([xu_ref[...], xs_ref[...]], axis=-1)

    h = jnp.dot(x, W1_ref[...], preferred_element_type=jnp.float32)
    mu = jnp.mean(h, axis=-1, keepdims=True)
    xc = h - mu
    var = jnp.mean(xc * xc, axis=-1, keepdims=True)
    h = xc * (jax.lax.rsqrt(var + 1e-5) * g1_ref[...]) + be1_ref[...]
    h = jnp.maximum(h, 0.0)

    h = jnp.dot(h, W2_ref[...], preferred_element_type=jnp.float32)
    h = h + b2_ref[...]
    mu = jnp.mean(h, axis=-1, keepdims=True)
    xc = h - mu
    var = jnp.mean(xc * xc, axis=-1, keepdims=True)
    h = xc * (jax.lax.rsqrt(var + 1e-5) * g2_ref[...]) + be2_ref[...]
    h = jnp.maximum(h, 0.0)

    z = jnp.dot(h, W3_ref[...], preferred_element_type=jnp.float32)
    z = z + b3_ref[...]
    n2 = jnp.sum(z * z, axis=-1, keepdims=True)
    out_ref[...] = z * jax.lax.rsqrt(jnp.maximum(n2, 1e-24))


def _mlp_call(BB, B):
    nb = B // BB

    def full(shape):
        return pl.BlockSpec(shape, lambda i: (0,) * len(shape))

    return pl.pallas_call(
        _mlp_body,
        grid=(nb,),
        in_specs=[
            pl.BlockSpec((BB, 128), lambda i: (i, 0)),
            pl.BlockSpec((BB, 128), lambda i: (i, 0)),
            full((256, 512)),
            full((1, 512)), full((1, 512)),
            full((512, 256)),
            full((1, 256)), full((1, 256)), full((1, 256)),
            full((256, 128)),
            full((1, 128)),
        ],
        out_specs=pl.BlockSpec((BB, 128), lambda i: (i, 0)),
        out_shape=jax.ShapeDtypeStruct((B, 128), jnp.float32),
    )


def _fuse_body(ge_ref, ae_ref, oe_ref, out_ref):
    j = jax.lax.broadcasted_iota(jnp.int32, (294, 1), 0)
    g = j // 147
    a = (j // 21) % 7
    o = j % 21
    ge = ge_ref[...]
    ae = ae_ref[...]
    oe = oe_ref[...]
    eg = jnp.where(g == 0, ge[0:1, :], ge[1:2, :])
    ea = jnp.where(a == 1, ae[1:2, :], ae[0:1, :])
    for r in range(2, 7):
        ea = jnp.where(a == r, ae[r:r + 1, :], ea)
    eo = jnp.where(o == 1, oe[1:2, :], oe[0:1, :])
    for r in range(2, 21):
        eo = jnp.where(o == r, oe[r:r + 1, :], eo)
    pad = jnp.zeros((294, 63), jnp.float32)
    one = jnp.ones((294, 1), jnp.float32)
    out_ref[...] = jnp.concatenate([eg, ea, eo, pad, one], axis=-1)


def _fuse_small_tables(gender_emb, age_emb, occ_emb):
    return pl.pallas_call(
        _fuse_body,
        out_shape=jax.ShapeDtypeStruct((294, 128), jnp.float32),
    )(gender_emb, age_emb, occ_emb)


def kernel(user_row, gender_idx, age_idx, occ_idx, user_emb, gender_emb,
           age_emb, occ_emb, W1, b1, g1, be1, W2, b2, g2, be2, W3, b3):
    B = user_row.shape[0]
    small_tab = _fuse_small_tables(gender_emb, age_emb, occ_emb)
    W1p = jnp.concatenate(
        [W1, jnp.zeros((63, 512), jnp.float32), b1.reshape(1, 512)], axis=0)
    xu, xs = _sc_gather(
        user_emb, small_tab,
        user_row.astype(jnp.int32), gender_idx.astype(jnp.int32),
        age_idx.astype(jnp.int32), occ_idx.astype(jnp.int32))
    BB = 2048
    return _mlp_call(BB, B)(
        xu, xs,
        W1p, g1.reshape(1, 512), be1.reshape(1, 512),
        W2, b2.reshape(1, 256), g2.reshape(1, 256), be2.reshape(1, 256),
        W3, b3.reshape(1, 128),
    )

# --- scband reference (transcript-rebuilt; emitter-appended) ---
"""Pipeline reference for scband-query-embed-tower-20744692040169 (READ-ONLY COPY).

The authoritative reference and input builder live on the scoring server;
editing this copy changes nothing except your own understanding.
"""

import jax, jax.numpy as jnp
import numpy as np


def _layernorm(x, g, b, eps=1e-5):
    mu = jnp.mean(x, axis=-1, keepdims=True)
    var = jnp.var(x, axis=-1, keepdims=True)
    return (x - mu) / jnp.sqrt(var + eps) * g + b


def _xavier(k, fan_in, fan_out):
    lim = float(np.sqrt(6.0 / (fan_in + fan_out)))
    return jax.random.uniform(k, (fan_in, fan_out), jnp.float32, -lim, lim)


def setup_inputs(seed: int = 0) -> dict:
    key = jax.random.key(seed)
    ks = jax.random.split(key, 12)
    B = 16384
    inp = {}
    inp["user_row"] = jax.random.randint(ks[0], (B,), 0, 1000000)
    inp["gender_idx"] = jax.random.randint(ks[1], (B,), 0, 2)
    inp["age_idx"] = jax.random.randint(ks[2], (B,), 0, 7)
    inp["occ_idx"] = jax.random.randint(ks[3], (B,), 0, 21)
    inp["user_emb"] = jax.random.normal(ks[4], (1000000, 128), jnp.float32) * 0.02
    inp["gender_emb"] = jax.random.normal(ks[5], (2, 16), jnp.float32) * 0.02
    inp["age_emb"] = jax.random.normal(ks[6], (7, 16), jnp.float32) * 0.02
    inp["occ_emb"] = jax.random.normal(ks[7], (21, 32), jnp.float32) * 0.02
    inp["W1"] = _xavier(ks[8], 192, 512)
    inp["b1"] = jnp.zeros((512,), jnp.float32)
    inp["g1"] = jnp.ones((512,), jnp.float32)
    inp["be1"] = jnp.zeros((512,), jnp.float32)
    inp["W2"] = _xavier(ks[9], 512, 256)
    inp["b2"] = jnp.zeros((256,), jnp.float32)
    inp["g2"] = jnp.ones((256,), jnp.float32)
    inp["be2"] = jnp.zeros((256,), jnp.float32)
    inp["W3"] = _xavier(ks[10], 256, 128)
    inp["b3"] = jnp.zeros((128,), jnp.float32)
    return inp


def reference(user_row, gender_idx, age_idx, occ_idx, user_emb, gender_emb, age_emb, occ_emb, W1, b1, g1, be1, W2, b2, g2, be2, W3, b3):
    e_id = jnp.take(user_emb, user_row, axis=0)
    e_g = jnp.take(gender_emb, gender_idx, axis=0)
    e_a = jnp.take(age_emb, age_idx, axis=0)
    e_o = jnp.take(occ_emb, occ_idx, axis=0)
    x = jnp.concatenate([e_id, e_g, e_a, e_o], axis=-1)
    h = _layernorm(x @ W1 + b1, g1, be1)
    h = jax.nn.relu(h)
    h = _layernorm(h @ W2 + b2, g2, be2)
    h = jax.nn.relu(h)
    z = h @ W3 + b3
    norm = jnp.maximum(jnp.linalg.norm(z, axis=-1, keepdims=True), 1e-12)
    return z / norm

if __name__ == "__main__":
    import jax
    _d = setup_inputs()
    print(jax.jit(kernel)(*tuple(_d.values())))

</pallas_src>

<mosaic_0001>
#map = affine_map<(d0, d1) -> (0, 0)>
#map1 = affine_map<(d0, d1) -> (0)>
module attributes {stable_mosaic.version = 14 : i64} {
  func.func @g(%arg0: i32, %arg1: i32, %arg2: memref<1000000x128xf32, #tpu.memory_space<hbm>>, %arg3: memref<294x128xf32, #tpu.memory_space<hbm>>, %arg4: memref<16384xi32, #tpu.memory_space<hbm>>, %arg5: memref<16384xi32, #tpu.memory_space<hbm>>, %arg6: memref<16384xi32, #tpu.memory_space<hbm>>, %arg7: memref<16384xi32, #tpu.memory_space<hbm>>, %arg8: memref<16384x128xf32, #tpu.memory_space<hbm>>, %arg9: memref<16384x128xf32, #tpu.memory_space<hbm>>, %arg10: memref<512xi32, #tpu.memory_space<vmem>>, %arg11: memref<512xi32, #tpu.memory_space<vmem>>, %arg12: memref<512xi32, #tpu.memory_space<vmem>>, %arg13: memref<512xi32, #tpu.memory_space<vmem>>, %arg14: memref<512xi32, #tpu.memory_space<vmem>>, %arg15: memref<512x128xf32, #tpu.memory_space<vmem>>, %arg16: memref<!tpu.dma_semaphore, #tpu.memory_space<semaphore_mem>>) attributes {dimension_semantics = [#tpu.dimension_semantics<core_parallel>, #tpu.dimension_semantics<subcore_parallel>], iteration_bounds = array<i64: 2, 16>, scalar_prefetch = 0 : i64, scratch_operands = 7 : i64, tpu.core_type = #tpu.core_type<sc_vector_subcore>, window_params = [{transform_indices = #map}, {transform_indices = #map}, {transform_indices = #map1}, {transform_indices = #map1}, {transform_indices = #map1}, {transform_indices = #map1}, {transform_indices = #map}, {transform_indices = #map}]} {
    %mul3A = arith.constant 2 : i32
    %mul3A_0 = arith.muli %arg1, %mul3A : i32
    %add3A = arith.addi %mul3A_0, %arg0 : i32
    %mul3A_1 = arith.constant 512 : i32
    %mul3A_2 = arith.muli %add3A, %mul3A_1 : i32
    "tpu.region"() ({
      %run_scoped3A = tpu.sem_alloc : memref<!tpu.dma_semaphore, #tpu.memory_space<semaphore_mem>>
      %dma_start3A_19 = tpu.memref_slice %arg4[%mul3A_2] : memref<16384xi32, #tpu.memory_space<hbm>> -> memref<512xi32, #tpu.memory_space<hbm>>
      %dma_start3A_20 = tpu.memref_slice %arg4[%mul3A_2] : memref<16384xi32, #tpu.memory_space<hbm>> -> memref<512xi32, #tpu.memory_space<hbm>>
      tpu.enqueue_dma source(%dma_start3A_20 : memref<512xi32, #tpu.memory_space<hbm>>) target(%arg10 : memref<512xi32, #tpu.memory_space<vmem>>) target_semaphore(%run_scoped3A : memref<!tpu.dma_semaphore, #tpu.memory_space<semaphore_mem>>)
      %dma_wait3A_21 = tpu.memref_slice %arg4[%mul3A_2] : memref<16384xi32, #tpu.memory_space<hbm>> -> memref<512xi32, #tpu.memory_space<hbm>>
      %dma_wait3A_22 = tpu.memref_slice %arg4[%mul3A_2] : memref<16384xi32, #tpu.memory_space<hbm>> -> memref<512xi32, #tpu.memory_space<hbm>>
      tpu.wait_dma2 semaphore(%run_scoped3A : memref<!tpu.dma_semaphore, #tpu.memory_space<semaphore_mem>>) src(%dma_wait3A_22 : memref<512xi32, #tpu.memory_space<hbm>>) dst(%arg10 : memref<512xi32, #tpu.memory_space<vmem>>)
      tpu.yield
    }) : () -> ()
    %dma_start3A = arith.constant 0 : i32
    %dma_start3A_3 = arith.constant 0 : i32
    %dma_start3A_4 = tpu.memref_slice %arg2[%dma_start3A, %dma_start3A_3] : memref<1000000x128xf32, #tpu.memory_space<hbm>> -> memref<1000000x128xf32, #tpu.memory_space<hbm>>
    tpu.enqueue_indirect_dma source(%dma_start3A_4 : memref<1000000x128xf32, #tpu.memory_space<hbm>>) target(%arg15 : memref<512x128xf32, #tpu.memory_space<vmem>>) offsets(%arg10 : memref<512xi32, #tpu.memory_space<vmem>>) semaphore(%arg16 : memref<!tpu.dma_semaphore, #tpu.memory_space<semaphore_mem>>)
    "tpu.region"() ({
      %run_scoped3A = tpu.sem_alloc : memref<!tpu.dma_semaphore, #tpu.memory_space<semaphore_mem>>
      %dma_start3A_19 = tpu.memref_slice %arg5[%mul3A_2] : memref<16384xi32, #tpu.memory_space<hbm>> -> memref<512xi32, #tpu.memory_space<hbm>>
      %dma_start3A_20 = tpu.memref_slice %arg5[%mul3A_2] : memref<16384xi32, #tpu.memory_space<hbm>> -> memref<512xi32, #tpu.memory_space<hbm>>
      tpu.enqueue_dma source(%dma_start3A_20 : memref<512xi32, #tpu.memory_space<hbm>>) target(%arg11 : memref<512xi32, #tpu.memory_space<vmem>>) target_semaphore(%run_scoped3A : memref<!tpu.dma_semaphore, #tpu.memory_space<semaphore_mem>>)
      %dma_wait3A_21 = tpu.memref_slice %arg5[%mul3A_2] : memref<16384xi32, #tpu.memory_space<hbm>> -> memref<512xi32, #tpu.memory_space<hbm>>
      %dma_wait3A_22 = tpu.memref_slice %arg5[%mul3A_2] : memref<16384xi32, #tpu.memory_space<hbm>> -> memref<512xi32, #tpu.memory_space<hbm>>
      tpu.wait_dma2 semaphore(%run_scoped3A : memref<!tpu.dma_semaphore, #tpu.memory_space<semaphore_mem>>) src(%dma_wait3A_22 : memref<512xi32, #tpu.memory_space<hbm>>) dst(%arg11 : memref<512xi32, #tpu.memory_space<vmem>>)
      tpu.yield
    }) : () -> ()
    "tpu.region"() ({
      %run_scoped3A = tpu.sem_alloc : memref<!tpu.dma_semaphore, #tpu.memory_space<semaphore_mem>>
      %dma_start3A_19 = tpu.memref_slice %arg6[%mul3A_2] : memref<16384xi32, #tpu.memory_space<hbm>> -> memref<512xi32, #tpu.memory_space<hbm>>
      %dma_start3A_20 = tpu.memref_slice %arg6[%mul3A_2] : memref<16384xi32, #tpu.memory_space<hbm>> -> memref<512xi32, #tpu.memory_space<hbm>>
      tpu.enqueue_dma source(%dma_start3A_20 : memref<512xi32, #tpu.memory_space<hbm>>) target(%arg12 : memref<512xi32, #tpu.memory_space<vmem>>) target_semaphore(%run_scoped3A : memref<!tpu.dma_semaphore, #tpu.memory_space<semaphore_mem>>)
      %dma_wait3A_21 = tpu.memref_slice %arg6[%mul3A_2] : memref<16384xi32, #tpu.memory_space<hbm>> -> memref<512xi32, #tpu.memory_space<hbm>>
      %dma_wait3A_22 = tpu.memref_slice %arg6[%mul3A_2] : memref<16384xi32, #tpu.memory_space<hbm>> -> memref<512xi32, #tpu.memory_space<hbm>>
      tpu.wait_dma2 semaphore(%run_scoped3A : memref<!tpu.dma_semaphore, #tpu.memory_space<semaphore_mem>>) src(%dma_wait3A_22 : memref<512xi32, #tpu.memory_space<hbm>>) dst(%arg12 : memref<512xi32, #tpu.memory_space<vmem>>)
      tpu.yield
    }) : () -> ()
    "tpu.region"() ({
      %run_scoped3A = tpu.sem_alloc : memref<!tpu.dma_semaphore, #tpu.memory_space<semaphore_mem>>
      %dma_start3A_19 = tpu.memref_slice %arg7[%mul3A_2] : memref<16384xi32, #tpu.memory_space<hbm>> -> memref<512xi32, #tpu.memory_space<hbm>>
      %dma_start3A_20 = tpu.memref_slice %arg7[%mul3A_2] : memref<16384xi32, #tpu.memory_space<hbm>> -> memref<512xi32, #tpu.memory_space<hbm>>
      tpu.enqueue_dma source(%dma_start3A_20 : memref<512xi32, #tpu.memory_space<hbm>>) target(%arg13 : memref<512xi32, #tpu.memory_space<vmem>>) target_semaphore(%run_scoped3A : memref<!tpu.dma_semaphore, #tpu.memory_space<semaphore_mem>>)
      %dma_wait3A_21 = tpu.memref_slice %arg7[%mul3A_2] : memref<16384xi32, #tpu.memory_space<hbm>> -> memref<512xi32, #tpu.memory_space<hbm>>
      %dma_wait3A_22 = tpu.memref_slice %arg7[%mul3A_2] : memref<16384xi32, #tpu.memory_space<hbm>> -> memref<512xi32, #tpu.memory_space<hbm>>
      tpu.wait_dma2 semaphore(%run_scoped3A : memref<!tpu.dma_semaphore, #tpu.memory_space<semaphore_mem>>) src(%dma_wait3A_22 : memref<512xi32, #tpu.memory_space<hbm>>) dst(%arg13 : memref<512xi32, #tpu.memory_space<vmem>>)
      tpu.yield
    }) : () -> ()
    %scan3A = arith.constant 0 : i32
    %scan3A_5 = arith.constant 0 : i32
    %scan3A_6 = arith.constant 32 : i32
    %scan3A_7 = arith.addi %scan3A_5, %scan3A_6 : i32
    %scan3A_8 = arith.constant 1 : i32
    %scan3A_9 = scf.for %scan3A_19 = %scan3A_5 to %scan3A_7 step %scan3A_8 iter_args(%scan3A_20 = %scan3A) -> (i32)  : i32 {
      %mul3A_21 = arith.constant 16 : i32
      %mul3A_22 = arith.muli %scan3A_19, %mul3A_21 : i32
      %get3A = arith.index_cast %mul3A_22 : i32 to index
      %get3A_23 = tpu.vector_load %arg11[%get3A] {strides = array<i32>} : memref<512xi32, #tpu.memory_space<vmem>>, vector<16xi32>,
      %get3A_24 = vector.shape_cast %get3A_23 : vector<16xi32> to vector<16xi32>
      %mul3A_25 = arith.constant 7 : i32
      %mul3A_26 = vector.broadcast %mul3A_25 : i32 to vector<16xi32>
      %mul3A_27 = arith.muli %get3A_24, %mul3A_26 : vector<16xi32>
      %get3A_28 = arith.index_cast %mul3A_22 : i32 to index
      %get3A_29 = tpu.vector_load %arg12[%get3A_28] {strides = array<i32>} : memref<512xi32, #tpu.memory_space<vmem>>, vector<16xi32>,
      %get3A_30 = vector.shape_cast %get3A_29 : vector<16xi32> to vector<16xi32>
      %add3A_31 = arith.addi %mul3A_27, %get3A_30 : vector<16xi32>
      %mul3A_32 = arith.constant 21 : i32
      %mul3A_33 = vector.broadcast %mul3A_32 : i32 to vector<16xi32>
      %mul3A_34 = arith.muli %add3A_31, %mul3A_33 : vector<16xi32>
      %get3A_35 = arith.index_cast %mul3A_22 : i32 to index
      %get3A_36 = tpu.vector_load %arg13[%get3A_35] {strides = array<i32>} : memref<512xi32, #tpu.memory_space<vmem>>, vector<16xi32>,
      %get3A_37 = vector.shape_cast %get3A_36 : vector<16xi32> to vector<16xi32>
      %add3A_38 = arith.addi %mul3A_34, %get3A_37 : vector<16xi32>
      %swap3A = arith.index_cast %mul3A_22 : i32 to index
      %swap3A_39 = tpu.vector_load %arg14[%swap3A] {strides = array<i32>} : memref<512xi32, #tpu.memory_space<vmem>>, vector<16xi32>,
      %swap3A_40 = vector.shape_cast %swap3A_39 : vector<16xi32> to vector<16xi32>
      %swap3A_41 = vector.shape_cast %add3A_38 : vector<16xi32> to vector<16xi32>
      tpu.vector_store %arg14[%swap3A], %swap3A_41 {strides = array<i32>} : memref<512xi32, #tpu.memory_space<vmem>>, vector<16xi32>,
      %scan3A_42 = arith.constant 0 : i32
      scf.yield %scan3A_42 : i32
    }
    %scan3A_10 = arith.constant 32 : i32
    %dma_wait3A = arith.constant 0 : i32
    %dma_wait3A_11 = arith.constant 0 : i32
    %dma_wait3A_12 = tpu.memref_slice %arg2[%dma_wait3A, %dma_wait3A_11] : memref<1000000x128xf32, #tpu.memory_space<hbm>> -> memref<1000000x128xf32, #tpu.memory_space<hbm>>
    tpu.wait_indirect_dma semaphore(%arg16 : memref<!tpu.dma_semaphore, #tpu.memory_space<semaphore_mem>>) src(%dma_wait3A_12 : memref<1000000x128xf32, #tpu.memory_space<hbm>>) dst(%arg15 : memref<512x128xf32, #tpu.memory_space<vmem>>)
    "tpu.region"() ({
      %run_scoped3A = tpu.sem_alloc : memref<!tpu.dma_semaphore, #tpu.memory_space<semaphore_mem>>
      %dma_start3A_19 = arith.constant 0 : i32
      %dma_start3A_20 = tpu.memref_slice %arg8[%mul3A_2, %dma_start3A_19] : memref<16384x128xf32, #tpu.memory_space<hbm>> -> memref<512x128xf32, #tpu.memory_space<hbm>>
      %dma_start3A_21 = arith.constant 0 : i32
      %dma_start3A_22 = tpu.memref_slice %arg8[%mul3A_2, %dma_start3A_21] : memref<16384x128xf32, #tpu.memory_space<hbm>> -> memref<512x128xf32, #tpu.memory_space<hbm>>
      tpu.enqueue_dma source(%arg15 : memref<512x128xf32, #tpu.memory_space<vmem>>) target(%dma_start3A_22 : memref<512x128xf32, #tpu.memory_space<hbm>>) target_semaphore(%run_scoped3A : memref<!tpu.dma_semaphore, #tpu.memory_space<semaphore_mem>>)
      %dma_wait3A_23 = arith.constant 0 : i32
      %dma_wait3A_24 = tpu.memref_slice %arg8[%mul3A_2, %dma_wait3A_23] : memref<16384x128xf32, #tpu.memory_space<hbm>> -> memref<512x128xf32, #tpu.memory_space<hbm>>
      %dma_wait3A_25 = arith.constant 0 : i32
      %dma_wait3A_26 = tpu.memref_slice %arg8[%mul3A_2, %dma_wait3A_25] : memref<16384x128xf32, #tpu.memory_space<hbm>> -> memref<512x128xf32, #tpu.memory_space<hbm>>
      tpu.wait_dma2 semaphore(%run_scoped3A : memref<!tpu.dma_semaphore, #tpu.memory_space<semaphore_mem>>) src(%arg15 : memref<512x128xf32, #tpu.memory_space<vmem>>) dst(%dma_wait3A_26 : memref<512x128xf32, #tpu.memory_space<hbm>>)
      tpu.yield
    }) : () -> ()
    %dma_start3A_13 = arith.constant 0 : i32
    %dma_start3A_14 = arith.constant 0 : i32
    %dma_start3A_15 = tpu.memref_slice %arg3[%dma_start3A_13, %dma_start3A_14] : memref<294x128xf32, #tpu.memory_space<hbm>> -> memref<294x128xf32, #tpu.memory_space<hbm>>
    tpu.enqueue_indirect_dma source(%dma_start3A_15 : memref<294x128xf32, #tpu.memory_space<hbm>>) target(%arg15 : memref<512x128xf32, #tpu.memory_space<vmem>>) offsets(%arg14 : memref<512xi32, #tpu.memory_space<vmem>>) semaphore(%arg16 : memref<!tpu.dma_semaphore, #tpu.memory_space<semaphore_mem>>)
    %dma_wait3A_16 = arith.constant 0 : i32
    %dma_wait3A_17 = arith.constant 0 : i32
    %dma_wait3A_18 = tpu.memref_slice %arg3[%dma_wait3A_16, %dma_wait3A_17] : memref<294x128xf32, #tpu.memory_space<hbm>> -> memref<294x128xf32, #tpu.memory_space<hbm>>
    tpu.wait_indirect_dma semaphore(%arg16 : memref<!tpu.dma_semaphore, #tpu.memory_space<semaphore_mem>>) src(%dma_wait3A_18 : memref<294x128xf32, #tpu.memory_space<hbm>>) dst(%arg15 : memref<512x128xf32, #tpu.memory_space<vmem>>)
    "tpu.region"() ({
      %run_scoped3A = tpu.sem_alloc : memref<!tpu.dma_semaphore, #tpu.memory_space<semaphore_mem>>
      %dma_start3A_19 = arith.constant 0 : i32
      %dma_start3A_20 = tpu.memref_slice %arg9[%mul3A_2, %dma_start3A_19] : memref<16384x128xf32, #tpu.memory_space<hbm>> -> memref<512x128xf32, #tpu.memory_space<hbm>>
      %dma_start3A_21 = arith.constant 0 : i32
      %dma_start3A_22 = tpu.memref_slice %arg9[%mul3A_2, %dma_start3A_21] : memref<16384x128xf32, #tpu.memory_space<hbm>> -> memref<512x128xf32, #tpu.memory_space<hbm>>
      tpu.enqueue_dma source(%arg15 : memref<512x128xf32, #tpu.memory_space<vmem>>) target(%dma_start3A_22 : memref<512x128xf32, #tpu.memory_space<hbm>>) target_semaphore(%run_scoped3A : memref<!tpu.dma_semaphore, #tpu.memory_space<semaphore_mem>>)
      %dma_wait3A_23 = arith.constant 0 : i32
      %dma_wait3A_24 = tpu.memref_slice %arg9[%mul3A_2, %dma_wait3A_23] : memref<16384x128xf32, #tpu.memory_space<hbm>> -> memref<512x128xf32, #tpu.memory_space<hbm>>
      %dma_wait3A_25 = arith.constant 0 : i32
      %dma_wait3A_26 = tpu.memref_slice %arg9[%mul3A_2, %dma_wait3A_25] : memref<16384x128xf32, #tpu.memory_space<hbm>> -> memref<512x128xf32, #tpu.memory_space<hbm>>
      tpu.wait_dma2 semaphore(%run_scoped3A : memref<!tpu.dma_semaphore, #tpu.memory_space<semaphore_mem>>) src(%arg15 : memref<512x128xf32, #tpu.memory_space<vmem>>) dst(%dma_wait3A_26 : memref<512x128xf32, #tpu.memory_space<hbm>>)
      tpu.yield
    }) : () -> ()
    return
  }
}

module attributes {stable_mosaic.version = 14 : i64} {
  func.func @_fuse_body(%arg0: memref<2x16xf32, #tpu.memory_space<vmem>>, %arg1: memref<7x16xf32, #tpu.memory_space<vmem>>, %arg2: memref<21x32xf32, #tpu.memory_space<vmem>>, %arg3: memref<294x128xf32, #tpu.memory_space<vmem>>) attributes {dimension_semantics = [], scalar_prefetch = 0 : i64, scratch_operands = 0 : i64, tpu.core_type = #tpu.core_type<tc>} {
    %iota3A = tpu.iota {dimensions = array<i32: 0>} : vector<294x1xi32>
    %jit3A = arith.constant 147 : i32
    %div3A = vector.broadcast %jit3A : i32 to vector<294x1xi32>
    %div3A_0 = arith.divsi %iota3A, %div3A : vector<294x1xi32>
    %sign3A = arith.constant 0 : i32
    %sign3A_1 = vector.broadcast %sign3A : i32 to vector<294x1xi32>
    %sign3A_2 = arith.cmpi sgt, %iota3A, %sign3A_1 : vector<294x1xi32>
    %sign3A_3 = arith.extui %sign3A_2 : vector<294x1xi1> to vector<294x1xi32>
    %sign3A_4 = arith.constant 0 : i32
    %sign3A_5 = vector.broadcast %sign3A_4 : i32 to vector<294x1xi32>
    %sign3A_6 = arith.cmpi slt, %iota3A, %sign3A_5 : vector<294x1xi32>
    %sign3A_7 = arith.extui %sign3A_6 : vector<294x1xi1> to vector<294x1xi32>
    %sign3A_8 = arith.subi %sign3A_3, %sign3A_7 : vector<294x1xi32>
    %sign3A_9 = arith.constant 0 : i32
    %sign3A_10 = arith.cmpi sgt, %jit3A, %sign3A_9 : i32
    %sign3A_11 = arith.extui %sign3A_10 : i1 to i32
    %sign3A_12 = arith.constant 0 : i32
    %sign3A_13 = arith.cmpi slt, %jit3A, %sign3A_12 : i32
    %sign3A_14 = arith.extui %sign3A_13 : i1 to i32
    %sign3A_15 = arith.subi %sign3A_11, %sign3A_14 : i32
    %ne3A = vector.broadcast %sign3A_15 : i32 to vector<294x1xi32>
    %ne3A_16 = arith.cmpi ne, %sign3A_8, %ne3A : vector<294x1xi32>
    %rem3A = vector.broadcast %jit3A : i32 to vector<294x1xi32>
    %rem3A_17 = arith.remsi %iota3A, %rem3A : vector<294x1xi32>
    %ne3A_18 = arith.constant 0 : i32
    %ne3A_19 = vector.broadcast %ne3A_18 : i32 to vector<294x1xi32>
    %ne3A_20 = arith.cmpi ne, %rem3A_17, %ne3A_19 : vector<294x1xi32>
    %and3A = arith.andi %ne3A_16, %ne3A_20 : vector<294x1xi1>
    %sub3A = arith.constant 1 : i32
    %sub3A_21 = vector.broadcast %sub3A : i32 to vector<294x1xi32>
    %sub3A_22 = arith.subi %div3A_0, %sub3A_21 : vector<294x1xi32>
    %select_n3A = arith.select %and3A, %sub3A_22, %div3A_0 : vector<294x1xi1>, vector<294x1xi32>
    %jit3A_23 = arith.constant 21 : i32
    %div3A_24 = vector.broadcast %jit3A_23 : i32 to vector<294x1xi32>
    %div3A_25 = arith.divsi %iota3A, %div3A_24 : vector<294x1xi32>
    %sign3A_26 = arith.constant 0 : i32
    %sign3A_27 = vector.broadcast %sign3A_26 : i32 to vector<294x1xi32>
    %sign3A_28 = arith.cmpi sgt, %iota3A, %sign3A_27 : vector<294x1xi32>
    %sign3A_29 = arith.extui %sign3A_28 : vector<294x1xi1> to vector<294x1xi32>
    %sign3A_30 = arith.constant 0 : i32
    %sign3A_31 = vector.broadcast %sign3A_30 : i32 to vector<294x1xi32>
    %sign3A_32 = arith.cmpi slt, %iota3A, %sign3A_31 : vector<294x1xi32>
    %sign3A_33 = arith.extui %sign3A_32 : vector<294x1xi1> to vector<294x1xi32>
    %sign3A_34 = arith.subi %sign3A_29, %sign3A_33 : vector<294x1xi32>
    %sign3A_35 = arith.constant 0 : i32
    %sign3A_36 = arith.cmpi sgt, %jit3A_23, %sign3A_35 : i32
    %sign3A_37 = arith.extui %sign3A_36 : i1 to i32
    %sign3A_38 = arith.constant 0 : i32
    %sign3A_39 = arith.cmpi slt, %jit3A_23, %sign3A_38 : i32
    %sign3A_40 = arith.extui %sign3A_39 : i1 to i32
    %sign3A_41 = arith.subi %sign3A_37, %sign3A_40 : i32
    %ne3A_42 = vector.broadcast %sign3A_41 : i32 to vector<294x1xi32>
    %ne3A_43 = arith.cmpi ne, %sign3A_34, %ne3A_42 : vector<294x1xi32>
    %rem3A_44 = vector.broadcast %jit3A_23 : i32 to vector<294x1xi32>
    %rem3A_45 = arith.remsi %iota3A, %rem3A_44 : vector<294x1xi32>
    %ne3A_46 = arith.constant 0 : i32
    %ne3A_47 = vector.broadcast %ne3A_46 : i32 to vector<294x1xi32>
    %ne3A_48 = arith.cmpi ne, %rem3A_45, %ne3A_47 : vector<294x1xi32>
    %and3A_49 = arith.andi %ne3A_43, %ne3A_48 : vector<294x1xi1>
    %sub3A_50 = arith.constant 1 : i32
    %sub3A_51 = vector.broadcast %sub3A_50 : i32 to vector<294x1xi32>
    %sub3A_52 = arith.subi %div3A_25, %sub3A_51 : vector<294x1xi32>
    %select_n3A_53 = arith.select %and3A_49, %sub3A_52, %div3A_25 : vector<294x1xi1>, vector<294x1xi32>
    %jit3A_54 = arith.constant 7 : i32
    %eq3A = arith.constant 0 : i32
    %eq3A_55 = arith.cmpi eq, %jit3A_54, %eq3A : i32
    %jit3A_56 = arith.constant 1 : i32
    %select_n3A_57 = arith.select %eq3A_55, %jit3A_56, %jit3A_54 : i32
    %rem3A_58 = vector.broadcast %select_n3A_57 : i32 to vector<294x1xi32>
    %rem3A_59 = arith.remsi %select_n3A_53, %rem3A_58 : vector<294x1xi32>
    %ne3A_60 = arith.constant 0 : i32
    %ne3A_61 = vector.broadcast %ne3A_60 : i32 to vector<294x1xi32>
    %ne3A_62 = arith.cmpi ne, %rem3A_59, %ne3A_61 : vector<294x1xi32>
    %lt3A = arith.constant 0 : i32
    %lt3A_63 = vector.broadcast %lt3A : i32 to vector<294x1xi32>
    %lt3A_64 = arith.cmpi slt, %rem3A_59, %lt3A_63 : vector<294x1xi32>
    %lt3A_65 = arith.constant 0 : i32
    %lt3A_66 = arith.cmpi slt, %select_n3A_57, %lt3A_65 : i32
    %ne3A_67 = vector.broadcast %lt3A_66 : i1 to vector<294x1xi1>
    %ne3A_68 = vector.broadcast %ne3A_67 : vector<294x1xi1> to vector<294x1xi1>
    %ne3A_69 = arith.xori %lt3A_64, %ne3A_68 : vector<294x1xi1>
    %and3A_70 = arith.andi %ne3A_69, %ne3A_62 : vector<294x1xi1>
    %add3A = vector.broadcast %select_n3A_57 : i32 to vector<294x1xi32>
    %add3A_71 = arith.addi %rem3A_59, %add3A : vector<294x1xi32>
    %select_n3A_72 = arith.select %and3A_70, %add3A_71, %rem3A_59 : vector<294x1xi1>, vector<294x1xi32>
    %jit3A_73 = arith.constant 21 : i32
    %eq3A_74 = arith.constant 0 : i32
    %eq3A_75 = arith.cmpi eq, %jit3A_73, %eq3A_74 : i32
    %jit3A_76 = arith.constant 1 : i32
    %select_n3A_77 = arith.select %eq3A_75, %jit3A_76, %jit3A_73 : i32
    %rem3A_78 = vector.broadcast %select_n3A_77 : i32 to vector<294x1xi32>
    %rem3A_79 = arith.remsi %iota3A, %rem3A_78 : vector<294x1xi32>
    %ne3A_80 = arith.constant 0 : i32
    %ne3A_81 = vector.broadcast %ne3A_80 : i32 to vector<294x1xi32>
    %ne3A_82 = arith.cmpi ne, %rem3A_79, %ne3A_81 : vector<294x1xi32>
    %lt3A_83 = arith.constant 0 : i32
    %lt3A_84 = vector.broadcast %lt3A_83 : i32 to vector<294x1xi32>
    %lt3A_85 = arith.cmpi slt, %rem3A_79, %lt3A_84 : vector<294x1xi32>
    %lt3A_86 = arith.constant 0 : i32
    %lt3A_87 = arith.cmpi slt, %select_n3A_77, %lt3A_86 : i32
    %ne3A_88 = vector.broadcast %lt3A_87 : i1 to vector<294x1xi1>
    %ne3A_89 = vector.broadcast %ne3A_88 : vector<294x1xi1> to vector<294x1xi1>
    %ne3A_90 = arith.xori %lt3A_85, %ne3A_89 : vector<294x1xi1>
    %and3A_91 = arith.andi %ne3A_90, %ne3A_82 : vector<294x1xi1>
    %add3A_92 = vector.broadcast %select_n3A_77 : i32 to vector<294x1xi32>
    %add3A_93 = arith.addi %rem3A_79, %add3A_92 : vector<294x1xi32>
    %select_n3A_94 = arith.select %and3A_91, %add3A_93, %rem3A_79 : vector<294x1xi1>, vector<294x1xi32>
    %get3A = arith.constant 0 : index
    %get3A_95 = arith.constant 0 : index
    %get3A_96 = vector.load %arg0[%get3A, %get3A_95] : memref<2x16xf32, #tpu.memory_space<vmem>>, vector<2x16xf32>
    %get3A_97 = arith.constant 0 : index
    %get3A_98 = arith.constant 0 : index
    %get3A_99 = vector.load %arg1[%get3A_97, %get3A_98] : memref<7x16xf32, #tpu.memory_space<vmem>>, vector<7x16xf32>
    %get3A_100 = arith.constant 0 : index
    %get3A_101 = arith.constant 0 : index
    %get3A_102 = vector.load %arg2[%get3A_100, %get3A_101] : memref<21x32xf32, #tpu.memory_space<vmem>>, vector<21x32xf32>
    %eq3A_103 = arith.constant 0 : i32
    %eq3A_104 = vector.broadcast %eq3A_103 : i32 to vector<294x1xi32>
    %eq3A_105 = arith.cmpi eq, %select_n3A, %eq3A_104 : vector<294x1xi32>
    %slice3A = vector.extract_strided_slice %get3A_96 {offsets = [0, 0], sizes = [1, 16], strides = [1, 1]} : vector<2x16xf32> to vector<1x16xf32>
    %slice3A_106 = vector.extract_strided_slice %get3A_96 {offsets = [1, 0], sizes = [1, 16], strides = [1, 1]} : vector<2x16xf32> to vector<1x16xf32>
    %broadcast_in_dim3A = vector.shape_cast %eq3A_105 : vector<294x1xi1> to vector<294x1xi1>
    %broadcast_in_dim3A_107 = vector.broadcast %broadcast_in_dim3A : vector<294x1xi1> to vector<294x16xi1>
    %broadcast_in_dim3A_108 = vector.shape_cast %slice3A : vector<1x16xf32> to vector<1x16xf32>
    %broadcast_in_dim3A_109 = vector.broadcast %broadcast_in_dim3A_108 : vector<1x16xf32> to vector<294x16xf32>
    %broadcast_in_dim3A_110 = vector.shape_cast %slice3A_106 : vector<1x16xf32> to vector<1x16xf32>
    %broadcast_in_dim3A_111 = vector.broadcast %broadcast_in_dim3A_110 : vector<1x16xf32> to vector<294x16xf32>
    %select_n3A_112 = arith.select %broadcast_in_dim3A_107, %broadcast_in_dim3A_109, %broadcast_in_dim3A_111 : vector<294x16xi1>, vector<294x16xf32>
    %eq3A_113 = arith.constant 1 : i32
    %eq3A_114 = vector.broadcast %eq3A_113 : i32 to vector<294x1xi32>
    %eq3A_115 = arith.cmpi eq, %select_n3A_72, %eq3A_114 : vector<294x1xi32>
    %slice3A_116 = vector.extract_strided_slice %get3A_99 {offsets = [1, 0], sizes = [1, 16], strides = [1, 1]} : vector<7x16xf32> to vector<1x16xf32>
    %slice3A_117 = vector.extract_strided_slice %get3A_99 {offsets = [0, 0], sizes = [1, 16], strides = [1, 1]} : vector<7x16xf32> to vector<1x16xf32>
    %broadcast_in_dim3A_118 = vector.shape_cast %eq3A_115 : vector<294x1xi1> to vector<294x1xi1>
    %broadcast_in_dim3A_119 = vector.broadcast %broadcast_in_dim3A_118 : vector<294x1xi1> to vector<294x16xi1>
    %broadcast_in_dim3A_120 = vector.shape_cast %slice3A_116 : vector<1x16xf32> to vector<1x16xf32>
    %broadcast_in_dim3A_121 = vector.broadcast %broadcast_in_dim3A_120 : vector<1x16xf32> to vector<294x16xf32>
    %broadcast_in_dim3A_122 = vector.shape_cast %slice3A_117 : vector<1x16xf32> to vector<1x16xf32>
    %broadcast_in_dim3A_123 = vector.broadcast %broadcast_in_dim3A_122 : vector<1x16xf32> to vector<294x16xf32>
    %select_n3A_124 = arith.select %broadcast_in_dim3A_119, %broadcast_in_dim3A_121, %broadcast_in_dim3A_123 : vector<294x16xi1>, vector<294x16xf32>
    %eq3A_125 = arith.constant 2 : i32
    %eq3A_126 = vector.broadcast %eq3A_125 : i32 to vector<294x1xi32>
    %eq3A_127 = arith.cmpi eq, %select_n3A_72, %eq3A_126 : vector<294x1xi32>
    %slice3A_128 = vector.extract_strided_slice %get3A_99 {offsets = [2, 0], sizes = [1, 16], strides = [1, 1]} : vector<7x16xf32> to vector<1x16xf32>
    %broadcast_in_dim3A_129 = vector.shape_cast %eq3A_127 : vector<294x1xi1> to vector<294x1xi1>
    %broadcast_in_dim3A_130 = vector.broadcast %broadcast_in_dim3A_129 : vector<294x1xi1> to vector<294x16xi1>
    %broadcast_in_dim3A_131 = vector.shape_cast %slice3A_128 : vector<1x16xf32> to vector<1x16xf32>
    %broadcast_in_dim3A_132 = vector.broadcast %broadcast_in_dim3A_131 : vector<1x16xf32> to vector<294x16xf32>
    %select_n3A_133 = arith.select %broadcast_in_dim3A_130, %broadcast_in_dim3A_132, %select_n3A_124 : vector<294x16xi1>, vector<294x16xf32>
    %eq3A_134 = arith.constant 3 : i32
    %eq3A_135 = vector.broadcast %eq3A_134 : i32 to vector<294x1xi32>
    %eq3A_136 = arith.cmpi eq, %select_n3A_72, %eq3A_135 : vector<294x1xi32>
    %slice3A_137 = vector.extract_strided_slice %get3A_99 {offsets = [3, 0], sizes = [1, 16], strides = [1, 1]} : vector<7x16xf32> to vector<1x16xf32>
    %broadcast_in_dim3A_138 = vector.shape_cast %eq3A_136 : vector<294x1xi1> to vector<294x1xi1>
    %broadcast_in_dim3A_139 = vector.broadcast %broadcast_in_dim3A_138 : vector<294x1xi1> to vector<294x16xi1>
    %broadcast_in_dim3A_140 = vector.shape_cast %slice3A_137 : vector<1x16xf32> to vector<1x16xf32>
    %broadcast_in_dim3A_141 = vector.broadcast %broadcast_in_dim3A_140 : vector<1x16xf32> to vector<294x16xf32>
    %select_n3A_142 = arith.select %broadcast_in_dim3A_139, %broadcast_in_dim3A_141, %select_n3A_133 : vector<294x16xi1>, vector<294x16xf32>
    %eq3A_143 = arith.constant 4 : i32
    %eq3A_144 = vector.broadcast %eq3A_143 : i32 to vector<294x1xi32>
    %eq3A_145 = arith.cmpi eq, %select_n3A_72, %eq3A_144 : vector<294x1xi32>
    %slice3A_146 = vector.extract_strided_slice %get3A_99 {offsets = [4, 0], sizes = [1, 16], strides = [1, 1]} : vector<7x16xf32> to vector<1x16xf32>
    %broadcast_in_dim3A_147 = vector.shape_cast %eq3A_145 : vector<294x1xi1> to vector<294x1xi1>
    %broadcast_in_dim3A_148 = vector.broadcast %broadcast_in_dim3A_147 : vector<294x1xi1> to vector<294x16xi1>
    %broadcast_in_dim3A_149 = vector.shape_cast %slice3A_146 : vector<1x16xf32> to vector<1x16xf32>
    %broadcast_in_dim3A_150 = vector.broadcast %broadcast_in_dim3A_149 : vector<1x16xf32> to vector<294x16xf32>
    %select_n3A_151 = arith.select %broadcast_in_dim3A_148, %broadcast_in_dim3A_150, %select_n3A_142 : vector<294x16xi1>, vector<294x16xf32>
    %eq3A_152 = arith.constant 5 : i32
    %eq3A_153 = vector.broadcast %eq3A_152 : i32 to vector<294x1xi32>
    %eq3A_154 = arith.cmpi eq, %select_n3A_72, %eq3A_153 : vector<294x1xi32>
    %slice3A_155 = vector.extract_strided_slice %get3A_99 {offsets = [5, 0], sizes = [1, 16], strides = [1, 1]} : vector<7x16xf32> to vector<1x16xf32>
    %broadcast_in_dim3A_156 = vector.shape_cast %eq3A_154 : vector<294x1xi1> to vector<294x1xi1>
    %broadcast_in_dim3A_157 = vector.broadcast %broadcast_in_dim3A_156 : vector<294x1xi1> to vector<294x16xi1>
    %broadcast_in_dim3A_158 = vector.shape_cast %slice3A_155 : vector<1x16xf32> to vector<1x16xf32>
    %broadcast_in_dim3A_159 = vector.broadcast %broadcast_in_dim3A_158 : vector<1x16xf32> to vector<294x16xf32>
    %select_n3A_160 = arith.select %broadcast_in_dim3A_157, %broadcast_in_dim3A_159, %select_n3A_151 : vector<294x16xi1>, vector<294x16xf32>
    %eq3A_161 = arith.constant 6 : i32
    %eq3A_162 = vector.broadcast %eq3A_161 : i32 to vector<294x1xi32>
    %eq3A_163 = arith.cmpi eq, %select_n3A_72, %eq3A_162 : vector<294x1xi32>
    %slice3A_164 = vector.extract_strided_slice %get3A_99 {offsets = [6, 0], sizes = [1, 16], strides = [1, 1]} : vector<7x16xf32> to vector<1x16xf32>
    %broadcast_in_dim3A_165 = vector.shape_cast %eq3A_163 : vector<294x1xi1> to vector<294x1xi1>
    %broadcast_in_dim3A_166 = vector.broadcast %broadcast_in_dim3A_165 : vector<294x1xi1> to vector<294x16xi1>
    %broadcast_in_dim3A_167 = vector.shape_cast %slice3A_164 : vector<1x16xf32> to vector<1x16xf32>
    %broadcast_in_dim3A_168 = vector.broadcast %broadcast_in_dim3A_167 : vector<1x16xf32> to vector<294x16xf32>
    %select_n3A_169 = arith.select %broadcast_in_dim3A_166, %broadcast_in_dim3A_168, %select_n3A_160 : vector<294x16xi1>, vector<294x16xf32>
    %eq3A_170 = arith.constant 1 : i32
    %eq3A_171 = vector.broadcast %eq3A_170 : i32 to vector<294x1xi32>
    %eq3A_172 = arith.cmpi eq, %select_n3A_94, %eq3A_171 : vector<294x1xi32>
    %slice3A_173 = vector.extract_strided_slice %get3A_102 {offsets = [1, 0], sizes = [1, 32], strides = [1, 1]} : vector<21x32xf32> to vector<1x32xf32>
    %slice3A_174 = vector.extract_strided_slice %get3A_102 {offsets = [0, 0], sizes = [1, 32], strides = [1, 1]} : vector<21x32xf32> to vector<1x32xf32>
    %broadcast_in_dim3A_175 = vector.shape_cast %eq3A_172 : vector<294x1xi1> to vector<294x1xi1>
    %broadcast_in_dim3A_176 = vector.broadcast %broadcast_in_dim3A_175 : vector<294x1xi1> to vector<294x32xi1>
    %broadcast_in_dim3A_177 = vector.shape_cast %slice3A_173 : vector<1x32xf32> to vector<1x32xf32>
    %broadcast_in_dim3A_178 = vector.broadcast %broadcast_in_dim3A_177 : vector<1x32xf32> to vector<294x32xf32>
    %broadcast_in_dim3A_179 = vector.shape_cast %slice3A_174 : vector<1x32xf32> to vector<1x32xf32>
    %broadcast_in_dim3A_180 = vector.broadcast %broadcast_in_dim3A_179 : vector<1x32xf32> to vector<294x32xf32>
    %select_n3A_181 = arith.select %broadcast_in_dim3A_176, %broadcast_in_dim3A_178, %broadcast_in_dim3A_180 : vector<294x32xi1>, vector<294x32xf32>
    %eq3A_182 = arith.constant 2 : i32
    %eq3A_183 = vector.broadcast %eq3A_182 : i32 to vector<294x1xi32>
    %eq3A_184 = arith.cmpi eq, %select_n3A_94, %eq3A_183 : vector<294x1xi32>
    %slice3A_185 = vector.extract_strided_slice %get3A_102 {offsets = [2, 0], sizes = [1, 32], strides = [1, 1]} : vector<21x32xf32> to vector<1x32xf32>
    %broadcast_in_dim3A_186 = vector.shape_cast %eq3A_184 : vector<294x1xi1> to vector<294x1xi1>
    %broadcast_in_dim3A_187 = vector.broadcast %broadcast_in_dim3A_186 : vector<294x1xi1> to vector<294x32xi1>
    %broadcast_in_dim3A_188 = vector.shape_cast %slice3A_185 : vector<1x32xf32> to vector<1x32xf32>
    %broadcast_in_dim3A_189 = vector.broadcast %broadcast_in_dim3A_188 : vector<1x32xf32> to vector<294x32xf32>
    %select_n3A_190 = arith.select %broadcast_in_dim3A_187, %broadcast_in_dim3A_189, %select_n3A_181 : vector<294x32xi1>, vector<294x32xf32>
    %eq3A_191 = arith.constant 3 : i32
    %eq3A_192 = vector.broadcast %eq3A_191 : i32 to vector<294x1xi32>
    %eq3A_193 = arith.cmpi eq, %select_n3A_94, %eq3A_192 : vector<294x1xi32>
    %slice3A_194 = vector.extract_strided_slice %get3A_102 {offsets = [3, 0], sizes = [1, 32], strides = [1, 1]} : vector<21x32xf32> to vector<1x32xf32>
    %broadcast_in_dim3A_195 = vector.shape_cast %eq3A_193 : vector<294x1xi1> to vector<294x1xi1>
    %broadcast_in_dim3A_196 = vector.broadcast %broadcast_in_dim3A_195 : vector<294x1xi1> to vector<294x32xi1>
    %broadcast_in_dim3A_197 = vector.shape_cast %slice3A_194 : vector<1x32xf32> to vector<1x32xf32>
    %broadcast_in_dim3A_198 = vector.broadcast %broadcast_in_dim3A_197 : vector<1x32xf32> to vector<294x32xf32>
    %select_n3A_199 = arith.select %broadcast_in_dim3A_196, %broadcast_in_dim3A_198, %select_n3A_190 : vector<294x32xi1>, vector<294x32xf32>
    %eq3A_200 = arith.constant 4 : i32
    %eq3A_201 = vector.broadcast %eq3A_200 : i32 to vector<294x1xi32>
    %eq3A_202 = arith.cmpi eq, %select_n3A_94, %eq3A_201 : vector<294x1xi32>
    %slice3A_203 = vector.extract_strided_slice %get3A_102 {offsets = [4, 0], sizes = [1, 32], strides = [1, 1]} : vector<21x32xf32> to vector<1x32xf32>
    %broadcast_in_dim3A_204 = vector.shape_cast %eq3A_202 : vector<294x1xi1> to vector<294x1xi1>
    %broadcast_in_dim3A_205 = vector.broadcast %broadcast_in_dim3A_204 : vector<294x1xi1> to vector<294x32xi1>
    %broadcast_in_dim3A_206 = vector.shape_cast %slice3A_203 : vector<1x32xf32> to vector<1x32xf32>
    %broadcast_in_dim3A_207 = vector.broadcast %broadcast_in_dim3A_206 : vector<1x32xf32> to vector<294x32xf32>
    %select_n3A_208 = arith.select %broadcast_in_dim3A_205, %broadcast_in_dim3A_207, %select_n3A_199 : vector<294x32xi1>, vector<294x32xf32>
    %eq3A_209 = arith.constant 5 : i32
    %eq3A_210 = vector.broadcast %eq3A_209 : i32 to vector<294x1xi32>
    %eq3A_211 = arith.cmpi eq, %select_n3A_94, %eq3A_210 : vector<294x1xi32>
    %slice3A_212 = vector.extract_strided_slice %get3A_102 {offsets = [5, 0], sizes = [1, 32], strides = [1, 1]} : vector<21x32xf32> to vector<1x32xf32>
    %broadcast_in_dim3A_213 = vector.shape_cast %eq3A_211 : vector<294x1xi1> to vector<294x1xi1>
    %broadcast_in_dim3A_214 = vector.broadcast %broadcast_in_dim3A_213 : vector<294x1xi1> to vector<294x32xi1>
    %broadcast_in_dim3A_215 = vector.shape_cast %slice3A_212 : vector<1x32xf32> to vector<1x32xf32>
    %broadcast_in_dim3A_216 = vector.broadcast %broadcast_in_dim3A_215 : vector<1x32xf32> to vector<294x32xf32>
    %select_n3A_217 = arith.select %broadcast_in_dim3A_214, %broadcast_in_dim3A_216, %select_n3A_208 : vector<294x32xi1>, vector<294x32xf32>
    %eq3A_218 = arith.constant 6 : i32
    %eq3A_219 = vector.broadcast %eq3A_218 : i32 to vector<294x1xi32>
    %eq3A_220 = arith.cmpi eq, %select_n3A_94, %eq3A_219 : vector<294x1xi32>
    %slice3A_221 = vector.extract_strided_slice %get3A_102 {offsets = [6, 0], sizes = [1, 32], strides = [1, 1]} : vector<21x32xf32> to vector<1x32xf32>
    %broadcast_in_dim3A_222 = vector.shape_cast %eq3A_220 : vector<294x1xi1> to vector<294x1xi1>
    %broadcast_in_dim3A_223 = vector.broadcast %broadcast_in_dim3A_222 : vector<294x1xi1> to vector<294x32xi1>
    %broadcast_in_dim3A_224 = vector.shape_cast %slice3A_221 : vector<1x32xf32> to vector<1x32xf32>
    %broadcast_in_dim3A_225 = vector.broadcast %broadcast_in_dim3A_224 : vector<1x32xf32> to vector<294x32xf32>
    %select_n3A_226 = arith.select %broadcast_in_dim3A_223, %broadcast_in_dim3A_225, %select_n3A_217 : vector<294x32xi1>, vector<294x32xf32>
    %eq3A_227 = arith.constant 7 : i32
    %eq3A_228 = vector.broadcast %eq3A_227 : i32 to vector<294x1xi32>
    %eq3A_229 = arith.cmpi eq, %select_n3A_94, %eq3A_228 : vector<294x1xi32>
    %slice3A_230 = vector.extract_strided_slice %get3A_102 {offsets = [7, 0], sizes = [1, 32], strides = [1, 1]} : vector<21x32xf32> to vector<1x32xf32>
    %broadcast_in_dim3A_231 = vector.shape_cast %eq3A_229 : vector<294x1xi1> to vector<294x1xi1>
    %broadcast_in_dim3A_232 = vector.broadcast %broadcast_in_dim3A_231 : vector<294x1xi1> to vector<294x32xi1>
    %broadcast_in_dim3A_233 = vector.shape_cast %slice3A_230 : vector<1x32xf32> to vector<1x32xf32>
    %broadcast_in_dim3A_234 = vector.broadcast %broadcast_in_dim3A_233 : vector<1x32xf32> to vector<294x32xf32>
    %select_n3A_235 = arith.select %broadcast_in_dim3A_232, %broadcast_in_dim3A_234, %select_n3A_226 : vector<294x32xi1>, vector<294x32xf32>
    %eq3A_236 = arith.constant 8 : i32
    %eq3A_237 = vector.broadcast %eq3A_236 : i32 to vector<294x1xi32>
    %eq3A_238 = arith.cmpi eq, %select_n3A_94, %eq3A_237 : vector<294x1xi32>
    %slice3A_239 = vector.extract_strided_slice %get3A_102 {offsets = [8, 0], sizes = [1, 32], strides = [1, 1]} : vector<21x32xf32> to vector<1x32xf32>
    %broadcast_in_dim3A_240 = vector.shape_cast %eq3A_238 : vector<294x1xi1> to vector<294x1xi1>
    %broadcast_in_dim3A_241 = vector.broadcast %broadcast_in_dim3A_240 : vector<294x1xi1> to vector<294x32xi1>
    %broadcast_in_dim3A_242 = vector.shape_cast %slice3A_239 : vector<1x32xf32> to vector<1x32xf32>
    %broadcast_in_dim3A_243 = vector.broadcast %broadcast_in_dim3A_242 : vector<1x32xf32> to vector<294x32xf32>
    %select_n3A_244 = arith.select %broadcast_in_dim3A_241, %broadcast_in_dim3A_243, %select_n3A_235 : vector<294x32xi1>, vector<294x32xf32>
    %eq3A_245 = arith.constant 9 : i32
    %eq3A_246 = vector.broadcast %eq3A_245 : i32 to vector<294x1xi32>
    %eq3A_247 = arith.cmpi eq, %select_n3A_94, %eq3A_246 : vector<294x1xi32>
    %slice3A_248 = vector.extract_strided_slice %get3A_102 {offsets = [9, 0], sizes = [1, 32], strides = [1, 1]} : vector<21x32xf32> to vector<1x32xf32>
    %broadcast_in_dim3A_249 = vector.shape_cast %eq3A_247 : vector<294x1xi1> to vector<294x1xi1>
    %broadcast_in_dim3A_250 = vector.broadcast %broadcast_in_dim3A_249 : vector<294x1xi1> to vector<294x32xi1>
    %broadcast_in_dim3A_251 = vector.shape_cast %slice3A_248 : vector<1x32xf32> to vector<1x32xf32>
    %broadcast_in_dim3A_252 = vector.broadcast %broadcast_in_dim3A_251 : vector<1x32xf32> to vector<294x32xf32>
    %select_n3A_253 = arith.select %broadcast_in_dim3A_250, %broadcast_in_dim3A_252, %select_n3A_244 : vector<294x32xi1>, vector<294x32xf32>
    %eq3A_254 = arith.constant 10 : i32
    %eq3A_255 = vector.broadcast %eq3A_254 : i32 to vector<294x1xi32>
    %eq3A_256 = arith.cmpi eq, %select_n3A_94, %eq3A_255 : vector<294x1xi32>
    %slice3A_257 = vector.extract_strided_slice %get3A_102 {offsets = [10, 0], sizes = [1, 32], strides = [1, 1]} : vector<21x32xf32> to vector<1x32xf32>
    %broadcast_in_dim3A_258 = vector.shape_cast %eq3A_256 : vector<294x1xi1> to vector<294x1xi1>
    %broadcast_in_dim3A_259 = vector.broadcast %broadcast_in_dim3A_258 : vector<294x1xi1> to vector<294x32xi1>
    %broadcast_in_dim3A_260 = vector.shape_cast %slice3A_257 : vector<1x32xf32> to vector<1x32xf32>
    %broadcast_in_dim3A_261 = vector.broadcast %broadcast_in_dim3A_260 : vector<1x32xf32> to vector<294x32xf32>
    %select_n3A_262 = arith.select %broadcast_in_dim3A_259, %broadcast_in_dim3A_261, %select_n3A_253 : vector<294x32xi1>, vector<294x32xf32>
    %eq3A_263 = arith.constant 11 : i32
    %eq3A_264 = vector.broadcast %eq3A_263 : i32 to vector<294x1xi32>
    %eq3A_265 = arith.cmpi eq, %select_n3A_94, %eq3A_264 : vector<294x1xi32>
    %slice3A_266 = vector.extract_strided_slice %get3A_102 {offsets = [11, 0], sizes = [1, 32], strides = [1, 1]} : vector<21x32xf32> to vector<1x32xf32>
    %broadcast_in_dim3A_267 = vector.shape_cast %eq3A_265 : vector<294x1xi1> to vector<294x1xi1>
    %broadcast_in_dim3A_268 = vector.broadcast %broadcast_in_dim3A_267 : vector<294x1xi1> to vector<294x32xi1>
    %broadcast_in_dim3A_269 = vector.shape_cast %slice3A_266 : vector<1x32xf32> to vector<1x32xf32>
    %broadcast_in_dim3A_270 = vector.broadcast %broadcast_in_dim3A_269 : vector<1x32xf32> to vector<294x32xf32>
    %select_n3A_271 = arith.select %broadcast_in_dim3A_268, %broadcast_in_dim3A_270, %select_n3A_262 : vector<294x32xi1>, vector<294x32xf32>
    %eq3A_272 = arith.constant 12 : i32
    %eq3A_273 = vector.broadcast %eq3A_272 : i32 to vector<294x1xi32>
    %eq3A_274 = arith.cmpi eq, %select_n3A_94, %eq3A_273 : vector<294x1xi32>
    %slice3A_275 = vector.extract_strided_slice %get3A_102 {offsets = [12, 0], sizes = [1, 32], strides = [1, 1]} : vector<21x32xf32> to vector<1x32xf32>
    %broadcast_in_dim3A_276 = vector.shape_cast %eq3A_274 : vector<294x1xi1> to vector<294x1xi1>
    %broadcast_in_dim3A_277 = vector.broadcast %broadcast_in_dim3A_276 : vector<294x1xi1> to vector<294x32xi1>
    %broadcast_in_dim3A_278 = vector.shape_cast %slice3A_275 : vector<1x32xf32> to vector<1x32xf32>
    %broadcast_in_dim3A_279 = vector.broadcast %broadcast_in_dim3A_278 : vector<1x32xf32> to vector<294x32xf32>
    %select_n3A_280 = arith.select %broadcast_in_dim3A_277, %broadcast_in_dim3A_279, %select_n3A_271 : vector<294x32xi1>, vector<294x32xf32>
    %eq3A_281 = arith.constant 13 : i32
    %eq3A_282 = vector.broadcast %eq3A_281 : i32 to vector<294x1xi32>
    %eq3A_283 = arith.cmpi eq, %select_n3A_94, %eq3A_282 : vector<294x1xi32>
    %slice3A_284 = vector.extract_strided_slice %get3A_102 {offsets = [13, 0], sizes = [1, 32], strides = [1, 1]} : vector<21x32xf32> to vector<1x32xf32>
    %broadcast_in_dim3A_285 = vector.shape_cast %eq3A_283 : vector<294x1xi1> to vector<294x1xi1>
    %broadcast_in_dim3A_286 = vector.broadcast %broadcast_in_dim3A_285 : vector<294x1xi1> to vector<294x32xi1>
    %broadcast_in_dim3A_287 = vector.shape_cast %slice3A_284 : vector<1x32xf32> to vector<1x32xf32>
    %broadcast_in_dim3A_288 = vector.broadcast %broadcast_in_dim3A_287 : vector<1x32xf32> to vector<294x32xf32>
    %select_n3A_289 = arith.select %broadcast_in_dim3A_286, %broadcast_in_dim3A_288, %select_n3A_280 : vector<294x32xi1>, vector<294x32xf32>
    %eq3A_290 = arith.constant 14 : i32
    %eq3A_291 = vector.broadcast %eq3A_290 : i32 to vector<294x1xi32>
    %eq3A_292 = arith.cmpi eq, %select_n3A_94, %eq3A_291 : vector<294x1xi32>
    %slice3A_293 = vector.extract_strided_slice %get3A_102 {offsets = [14, 0], sizes = [1, 32], strides = [1, 1]} : vector<21x32xf32> to vector<1x32xf32>
    %broadcast_in_dim3A_294 = vector.shape_cast %eq3A_292 : vector<294x1xi1> to vector<294x1xi1>
    %broadcast_in_dim3A_295 = vector.broadcast %broadcast_in_dim3A_294 : vector<294x1xi1> to vector<294x32xi1>
    %broadcast_in_dim3A_296 = vector.shape_cast %slice3A_293 : vector<1x32xf32> to vector<1x32xf32>
    %broadcast_in_dim3A_297 = vector.broadcast %broadcast_in_dim3A_296 : vector<1x32xf32> to vector<294x32xf32>
    %select_n3A_298 = arith.select %broadcast_in_dim3A_295, %broadcast_in_dim3A_297, %select_n3A_289 : vector<294x32xi1>, vector<294x32xf32>
    %eq3A_299 = arith.constant 15 : i32
    %eq3A_300 = vector.broadcast %eq3A_299 : i32 to vector<294x1xi32>
    %eq3A_301 = arith.cmpi eq, %select_n3A_94, %eq3A_300 : vector<294x1xi32>
    %slice3A_302 = vector.extract_strided_slice %get3A_102 {offsets = [15, 0], sizes = [1, 32], strides = [1, 1]} : vector<21x32xf32> to vector<1x32xf32>
    %broadcast_in_dim3A_303 = vector.shape_cast %eq3A_301 : vector<294x1xi1> to vector<294x1xi1>
    %broadcast_in_dim3A_304 = vector.broadcast %broadcast_in_dim3A_303 : vector<294x1xi1> to vector<294x32xi1>
    %broadcast_in_dim3A_305 = vector.shape_cast %slice3A_302 : vector<1x32xf32> to vector<1x32xf32>
    %broadcast_in_dim3A_306 = vector.broadcast %broadcast_in_dim3A_305 : vector<1x32xf32> to vector<294x32xf32>
    %select_n3A_307 = arith.select %broadcast_in_dim3A_304, %broadcast_in_dim3A_306, %select_n3A_298 : vector<294x32xi1>, vector<294x32xf32>
    %eq3A_308 = arith.constant 16 : i32
    %eq3A_309 = vector.broadcast %eq3A_308 : i32 to vector<294x1xi32>
    %eq3A_310 = arith.cmpi eq, %select_n3A_94, %eq3A_309 : vector<294x1xi32>
    %slice3A_311 = vector.extract_strided_slice %get3A_102 {offsets = [16, 0], sizes = [1, 32], strides = [1, 1]} : vector<21x32xf32> to vector<1x32xf32>
    %broadcast_in_dim3A_312 = vector.shape_cast %eq3A_310 : vector<294x1xi1> to vector<294x1xi1>
    %broadcast_in_dim3A_313 = vector.broadcast %broadcast_in_dim3A_312 : vector<294x1xi1> to vector<294x32xi1>
    %broadcast_in_dim3A_314 = vector.shape_cast %slice3A_311 : vector<1x32xf32> to vector<1x32xf32>
    %broadcast_in_dim3A_315 = vector.broadcast %broadcast_in_dim3A_314 : vector<1x32xf32> to vector<294x32xf32>
    %select_n3A_316 = arith.select %broadcast_in_dim3A_313, %broadcast_in_dim3A_315, %select_n3A_307 : vector<294x32xi1>, vector<294x32xf32>
    %eq3A_317 = arith.constant 17 : i32
    %eq3A_318 = vector.broadcast %eq3A_317 : i32 to vector<294x1xi32>
    %eq3A_319 = arith.cmpi eq, %select_n3A_94, %eq3A_318 : vector<294x1xi32>
    %slice3A_320 = vector.extract_strided_slice %get3A_102 {offsets = [17, 0], sizes = [1, 32], strides = [1, 1]} : vector<21x32xf32> to vector<1x32xf32>
    %broadcast_in_dim3A_321 = vector.shape_cast %eq3A_319 : vector<294x1xi1> to vector<294x1xi1>
    %broadcast_in_dim3A_322 = vector.broadcast %broadcast_in_dim3A_321 : vector<294x1xi1> to vector<294x32xi1>
    %broadcast_in_dim3A_323 = vector.shape_cast %slice3A_320 : vector<1x32xf32> to vector<1x32xf32>
    %broadcast_in_dim3A_324 = vector.broadcast %broadcast_in_dim3A_323 : vector<1x32xf32> to vector<294x32xf32>
    %select_n3A_325 = arith.select %broadcast_in_dim3A_322, %broadcast_in_dim3A_324, %select_n3A_316 : vector<294x32xi1>, vector<294x32xf32>
    %eq3A_326 = arith.constant 18 : i32
    %eq3A_327 = vector.broadcast %eq3A_326 : i32 to vector<294x1xi32>
    %eq3A_328 = arith.cmpi eq, %select_n3A_94, %eq3A_327 : vector<294x1xi32>
    %slice3A_329 = vector.extract_strided_slice %get3A_102 {offsets = [18, 0], sizes = [1, 32], strides = [1, 1]} : vector<21x32xf32> to vector<1x32xf32>
    %broadcast_in_dim3A_330 = vector.shape_cast %eq3A_328 : vector<294x1xi1> to vector<294x1xi1>
    %broadcast_in_dim3A_331 = vector.broadcast %broadcast_in_dim3A_330 : vector<294x1xi1> to vector<294x32xi1>
    %broadcast_in_dim3A_332 = vector.shape_cast %slice3A_329 : vector<1x32xf32> to vector<1x32xf32>
    %broadcast_in_dim3A_333 = vector.broadcast %broadcast_in_dim3A_332 : vector<1x32xf32> to vector<294x32xf32>
    %select_n3A_334 = arith.select %broadcast_in_dim3A_331, %broadcast_in_dim3A_333, %select_n3A_325 : vector<294x32xi1>, vector<294x32xf32>
    %eq3A_335 = arith.constant 19 : i32
    %eq3A_336 = vector.broadcast %eq3A_335 : i32 to vector<294x1xi32>
    %eq3A_337 = arith.cmpi eq, %select_n3A_94, %eq3A_336 : vector<294x1xi32>
    %slice3A_338 = vector.extract_strided_slice %get3A_102 {offsets = [19, 0], sizes = [1, 32], strides = [1, 1]} : vector<21x32xf32> to vector<1x32xf32>
    %broadcast_in_dim3A_339 = vector.shape_cast %eq3A_337 : vector<294x1xi1> to vector<294x1xi1>
    %broadcast_in_dim3A_340 = vector.broadcast %broadcast_in_dim3A_339 : vector<294x1xi1> to vector<294x32xi1>
    %broadcast_in_dim3A_341 = vector.shape_cast %slice3A_338 : vector<1x32xf32> to vector<1x32xf32>
    %broadcast_in_dim3A_342 = vector.broadcast %broadcast_in_dim3A_341 : vector<1x32xf32> to vector<294x32xf32>
    %select_n3A_343 = arith.select %broadcast_in_dim3A_340, %broadcast_in_dim3A_342, %select_n3A_334 : vector<294x32xi1>, vector<294x32xf32>
    %eq3A_344 = arith.constant 20 : i32
    %eq3A_345 = vector.broadcast %eq3A_344 : i32 to vector<294x1xi32>
    %eq3A_346 = arith.cmpi eq, %select_n3A_94, %eq3A_345 : vector<294x1xi32>
    %slice3A_347 = vector.extract_strided_slice %get3A_102 {offsets = [20, 0], sizes = [1, 32], strides = [1, 1]} : vector<21x32xf32> to vector<1x32xf32>
    %broadcast_in_dim3A_348 = vector.shape_cast %eq3A_346 : vector<294x1xi1> to vector<294x1xi1>
    %broadcast_in_dim3A_349 = vector.broadcast %broadcast_in_dim3A_348 : vector<294x1xi1> to vector<294x32xi1>
    %broadcast_in_dim3A_350 = vector.shape_cast %slice3A_347 : vector<1x32xf32> to vector<1x32xf32>
    %broadcast_in_dim3A_351 = vector.broadcast %broadcast_in_dim3A_350 : vector<1x32xf32> to vector<294x32xf32>
    %select_n3A_352 = arith.select %broadcast_in_dim3A_349, %broadcast_in_dim3A_351, %select_n3A_343 : vector<294x32xi1>, vector<294x32xf32>
    %broadcast_in_dim3A_353 = arith.constant 0.000000e+00 : f32
    %broadcast_in_dim3A_354 = vector.broadcast %broadcast_in_dim3A_353 : f32 to vector<294x63xf32>
    %broadcast_in_dim3A_355 = arith.constant 1.000000e+00 : f32
    %broadcast_in_dim3A_356 = vector.broadcast %broadcast_in_dim3A_355 : f32 to vector<294x1xf32>
    %concatenate3A = tpu.concatenate %select_n3A_112, %select_n3A_169, %select_n3A_352, %broadcast_in_dim3A_354, %broadcast_in_dim3A_356 in 1 : vector<294x16xf32>, vector<294x16xf32>, vector<294x32xf32>, vector<294x63xf32>, vector<294x1xf32> -> vector<294x128xf32>
    %swap3A = arith.constant 0 : index
    %swap3A_357 = arith.constant 0 : index
    %swap3A_358 = vector.load %arg3[%swap3A, %swap3A_357] : memref<294x128xf32, #tpu.memory_space<vmem>>, vector<294x128xf32>
    tpu.vector_store %arg3[%swap3A, %swap3A_357], %concatenate3A {strides = array<i32>} : memref<294x128xf32, #tpu.memory_space<vmem>>, vector<294x128xf32>,
    return
  }
}

module attributes {stable_mosaic.version = 14 : i64} {
  func.func @_mlp_body(%arg0: i32, %arg1: memref<2048x128xf32, #tpu.memory_space<vmem>>, %arg2: memref<2048x128xf32, #tpu.memory_space<vmem>>, %arg3: memref<256x512xf32, #tpu.memory_space<vmem>>, %arg4: memref<1x512xf32, #tpu.memory_space<vmem>>, %arg5: memref<1x512xf32, #tpu.memory_space<vmem>>, %arg6: memref<512x256xf32, #tpu.memory_space<vmem>>, %arg7: memref<1x256xf32, #tpu.memory_space<vmem>>, %arg8: memref<1x256xf32, #tpu.memory_space<vmem>>, %arg9: memref<1x256xf32, #tpu.memory_space<vmem>>, %arg10: memref<256x128xf32, #tpu.memory_space<vmem>>, %arg11: memref<1x128xf32, #tpu.memory_space<vmem>>, %arg12: memref<2048x128xf32, #tpu.memory_space<vmem>>) attributes {dimension_semantics = [#tpu.dimension_semantics<arbitrary>], iteration_bounds = array<i64: 8>, scalar_prefetch = 0 : i64, scratch_operands = 0 : i64, tpu.core_type = #tpu.core_type<tc>, window_params = [{transform_indices = @transform_0, window_bounds = array<i64: 2048, 128>}, {transform_indices = @transform_1, window_bounds = array<i64: 2048, 128>}, {pipeline_mode = #tpu.pipeline_mode<synchronous>, transform_indices = @transform_2, window_bounds = array<i64: 256, 512>}, {pipeline_mode = #tpu.pipeline_mode<synchronous>, transform_indices = @transform_3, window_bounds = array<i64: 1, 512>}, {pipeline_mode = #tpu.pipeline_mode<synchronous>, transform_indices = @transform_4, window_bounds = array<i64: 1, 512>}, {pipeline_mode = #tpu.pipeline_mode<synchronous>, transform_indices = @transform_5, window_bounds = array<i64: 512, 256>}, {pipeline_mode = #tpu.pipeline_mode<synchronous>, transform_indices = @transform_6, window_bounds = array<i64: 1, 256>}, {pipeline_mode = #tpu.pipeline_mode<synchronous>, transform_indices = @transform_7, window_bounds = array<i64: 1, 256>}, {pipeline_mode = #tpu.pipeline_mode<synchronous>, transform_indices = @transform_8, window_bounds = array<i64: 1, 256>}, {pipeline_mode = #tpu.pipeline_mode<synchronous>, transform_indices = @transform_9, window_bounds = array<i64: 256, 128>}, {pipeline_mode = #tpu.pipeline_mode<synchronous>, transform_indices = @transform_10, window_bounds = array<i64: 1, 128>}, {transform_indices = @transform_11, window_bounds = array<i64: 2048, 128>}]} {
    %get3A = arith.constant 0 : index
    %get3A_0 = arith.constant 0 : index
    %get3A_1 = vector.load %arg1[%get3A, %get3A_0] : memref<2048x128xf32, #tpu.memory_space<vmem>>, vector<2048x128xf32>
    %get3A_2 = arith.constant 0 : index
    %get3A_3 = arith.constant 0 : index
    %get3A_4 = vector.load %arg2[%get3A_2, %get3A_3] : memref<2048x128xf32, #tpu.memory_space<vmem>>, vector<2048x128xf32>
    %concatenate3A = tpu.concatenate %get3A_1, %get3A_4 in 1 : vector<2048x128xf32>, vector<2048x128xf32> -> vector<2048x256xf32>
    %get3A_5 = arith.constant 0 : index
    %get3A_6 = arith.constant 0 : index
    %get3A_7 = vector.load %arg3[%get3A_5, %get3A_6] : memref<256x512xf32, #tpu.memory_space<vmem>>, vector<256x512xf32>
    %dot_general3A = arith.constant dense<0.000000e+00> : vector<2048x512xf32>
    %dot_general3A_8 = tpu.matmul %concatenate3A, %get3A_7, %dot_general3A {dimension_numbers = #tpu.dot_dimension_numbers<[1], [0], [0], [1], [0, 0, 1, 1], [], []>, transpose_lhs_hint = false} : vector<2048x256xf32>, vector<256x512xf32>, vector<2048x512xf32> -> vector<2048x512xf32>
    %reduce_sum3A = arith.constant dense<0.000000e+00> : vector<2048xf32>
    %reduce_sum3A_9 = vector.multi_reduction <add>, %dot_general3A_8, %reduce_sum3A [1] : vector<2048x512xf32> to vector<2048xf32>
    %broadcast_in_dim3A = vector.shape_cast %reduce_sum3A_9 : vector<2048xf32> to vector<2048x1xf32>
    %div3A = arith.constant 5.120000e+02 : f32
    %div3A_10 = vector.broadcast %div3A : f32 to vector<2048x1xf32>
    %div3A_11 = arith.divf %broadcast_in_dim3A, %div3A_10 : vector<2048x1xf32>
    %sub3A = vector.broadcast %div3A_11 : vector<2048x1xf32> to vector<2048x512xf32>
    %sub3A_12 = arith.subf %dot_general3A_8, %sub3A : vector<2048x512xf32>
    %mul3A = arith.mulf %sub3A_12, %sub3A_12 : vector<2048x512xf32>
    %reduce_sum3A_13 = arith.constant dense<0.000000e+00> : vector<2048xf32>
    %reduce_sum3A_14 = vector.multi_reduction <add>, %mul3A, %reduce_sum3A_13 [1] : vector<2048x512xf32> to vector<2048xf32>
    %broadcast_in_dim3A_15 = vector.shape_cast %reduce_sum3A_14 : vector<2048xf32> to vector<2048x1xf32>
    %div3A_16 = arith.constant 5.120000e+02 : f32
    %div3A_17 = vector.broadcast %div3A_16 : f32 to vector<2048x1xf32>
    %div3A_18 = arith.divf %broadcast_in_dim3A_15, %div3A_17 : vector<2048x1xf32>
    %add3A = arith.constant 9.99999974E-6 : f32
    %add3A_19 = vector.broadcast %add3A : f32 to vector<2048x1xf32>
    %add3A_20 = arith.addf %div3A_18, %add3A_19 : vector<2048x1xf32>
    %rsqrt3A = math.rsqrt %add3A_20 : vector<2048x1xf32>
    %get3A_21 = arith.constant 0 : index
    %get3A_22 = arith.constant 0 : index
    %get3A_23 = vector.load %arg4[%get3A_21, %get3A_22] : memref<1x512xf32, #tpu.memory_space<vmem>>, vector<1x512xf32>
    %mul3A_24 = vector.broadcast %rsqrt3A : vector<2048x1xf32> to vector<2048x512xf32>
    %mul3A_25 = vector.broadcast %get3A_23 : vector<1x512xf32> to vector<2048x512xf32>
    %mul3A_26 = arith.mulf %mul3A_24, %mul3A_25 : vector<2048x512xf32>
    %mul3A_27 = arith.mulf %sub3A_12, %mul3A_26 : vector<2048x512xf32>
    %get3A_28 = arith.constant 0 : index
    %get3A_29 = arith.constant 0 : index
    %get3A_30 = vector.load %arg5[%get3A_28, %get3A_29] : memref<1x512xf32, #tpu.memory_space<vmem>>, vector<1x512xf32>
    %add3A_31 = vector.broadcast %get3A_30 : vector<1x512xf32> to vector<2048x512xf32>
    %add3A_32 = arith.addf %mul3A_27, %add3A_31 : vector<2048x512xf32>
    %max3A = arith.constant 0.000000e+00 : f32
    %max3A_33 = vector.broadcast %max3A : f32 to vector<2048x512xf32>
    %max3A_34 = arith.maximumf %add3A_32, %max3A_33 : vector<2048x512xf32>
    %get3A_35 = arith.constant 0 : index
    %get3A_36 = arith.constant 0 : index
    %get3A_37 = vector.load %arg6[%get3A_35, %get3A_36] : memref<512x256xf32, #tpu.memory_space<vmem>>, vector<512x256xf32>
    %dot_general3A_38 = arith.constant dense<0.000000e+00> : vector<2048x256xf32>
    %dot_general3A_39 = tpu.matmul %max3A_34, %get3A_37, %dot_general3A_38 {dimension_numbers = #tpu.dot_dimension_numbers<[1], [0], [0], [1], [0, 0, 1, 1], [], []>, transpose_lhs_hint = false} : vector<2048x512xf32>, vector<512x256xf32>, vector<2048x256xf32> -> vector<2048x256xf32>
    %get3A_40 = arith.constant 0 : index
    %get3A_41 = arith.constant 0 : index
    %get3A_42 = vector.load %arg7[%get3A_40, %get3A_41] : memref<1x256xf32, #tpu.memory_space<vmem>>, vector<1x256xf32>
    %add3A_43 = vector.broadcast %get3A_42 : vector<1x256xf32> to vector<2048x256xf32>
    %add3A_44 = arith.addf %dot_general3A_39, %add3A_43 : vector<2048x256xf32>
    %reduce_sum3A_45 = arith.constant dense<0.000000e+00> : vector<2048xf32>
    %reduce_sum3A_46 = vector.multi_reduction <add>, %add3A_44, %reduce_sum3A_45 [1] : vector<2048x256xf32> to vector<2048xf32>
    %broadcast_in_dim3A_47 = vector.shape_cast %reduce_sum3A_46 : vector<2048xf32> to vector<2048x1xf32>
    %div3A_48 = arith.constant 2.560000e+02 : f32
    %div3A_49 = vector.broadcast %div3A_48 : f32 to vector<2048x1xf32>
    %div3A_50 = arith.divf %broadcast_in_dim3A_47, %div3A_49 : vector<2048x1xf32>
    %sub3A_51 = vector.broadcast %div3A_50 : vector<2048x1xf32> to vector<2048x256xf32>
    %sub3A_52 = arith.subf %add3A_44, %sub3A_51 : vector<2048x256xf32>
    %mul3A_53 = arith.mulf %sub3A_52, %sub3A_52 : vector<2048x256xf32>
    %reduce_sum3A_54 = arith.constant dense<0.000000e+00> : vector<2048xf32>
    %reduce_sum3A_55 = vector.multi_reduction <add>, %mul3A_53, %reduce_sum3A_54 [1] : vector<2048x256xf32> to vector<2048xf32>
    %broadcast_in_dim3A_56 = vector.shape_cast %reduce_sum3A_55 : vector<2048xf32> to vector<2048x1xf32>
    %div3A_57 = arith.constant 2.560000e+02 : f32
    %div3A_58 = vector.broadcast %div3A_57 : f32 to vector<2048x1xf32>
    %div3A_59 = arith.divf %broadcast_in_dim3A_56, %div3A_58 : vector<2048x1xf32>
    %add3A_60 = arith.constant 9.99999974E-6 : f32
    %add3A_61 = vector.broadcast %add3A_60 : f32 to vector<2048x1xf32>
    %add3A_62 = arith.addf %div3A_59, %add3A_61 : vector<2048x1xf32>
    %rsqrt3A_63 = math.rsqrt %add3A_62 : vector<2048x1xf32>
    %get3A_64 = arith.constant 0 : index
    %get3A_65 = arith.constant 0 : index
    %get3A_66 = vector.load %arg8[%get3A_64, %get3A_65] : memref<1x256xf32, #tpu.memory_space<vmem>>, vector<1x256xf32>
    %mul3A_67 = vector.broadcast %rsqrt3A_63 : vector<2048x1xf32> to vector<2048x256xf32>
    %mul3A_68 = vector.broadcast %get3A_66 : vector<1x256xf32> to vector<2048x256xf32>
    %mul3A_69 = arith.mulf %mul3A_67, %mul3A_68 : vector<2048x256xf32>
    %mul3A_70 = arith.mulf %sub3A_52, %mul3A_69 : vector<2048x256xf32>
    %get3A_71 = arith.constant 0 : index
    %get3A_72 = arith.constant 0 : index
    %get3A_73 = vector.load %arg9[%get3A_71, %get3A_72] : memref<1x256xf32, #tpu.memory_space<vmem>>, vector<1x256xf32>
    %add3A_74 = vector.broadcast %get3A_73 : vector<1x256xf32> to vector<2048x256xf32>
    %add3A_75 = arith.addf %mul3A_70, %add3A_74 : vector<2048x256xf32>
    %max3A_76 = arith.constant 0.000000e+00 : f32
    %max3A_77 = vector.broadcast %max3A_76 : f32 to vector<2048x256xf32>
    %max3A_78 = arith.maximumf %add3A_75, %max3A_77 : vector<2048x256xf32>
    %get3A_79 = arith.constant 0 : index
    %get3A_80 = arith.constant 0 : index
    %get3A_81 = vector.load %arg10[%get3A_79, %get3A_80] : memref<256x128xf32, #tpu.memory_space<vmem>>, vector<256x128xf32>
    %dot_general3A_82 = arith.constant dense<0.000000e+00> : vector<2048x128xf32>
    %dot_general3A_83 = tpu.matmul %max3A_78, %get3A_81, %dot_general3A_82 {dimension_numbers = #tpu.dot_dimension_numbers<[1], [0], [0], [1], [0, 0, 1, 1], [], []>, transpose_lhs_hint = false} : vector<2048x256xf32>, vector<256x128xf32>, vector<2048x128xf32> -> vector<2048x128xf32>
    %get3A_84 = arith.constant 0 : index
    %get3A_85 = arith.constant 0 : index
    %get3A_86 = vector.load %arg11[%get3A_84, %get3A_85] : memref<1x128xf32, #tpu.memory_space<vmem>>, vector<1x128xf32>
    %add3A_87 = vector.broadcast %get3A_86 : vector<1x128xf32> to vector<2048x128xf32>
    %add3A_88 = arith.addf %dot_general3A_83, %add3A_87 : vector<2048x128xf32>
    %mul3A_89 = arith.mulf %add3A_88, %add3A_88 : vector<2048x128xf32>
    %reduce_sum3A_90 = arith.constant dense<0.000000e+00> : vector<2048xf32>
    %reduce_sum3A_91 = vector.multi_reduction <add>, %mul3A_89, %reduce_sum3A_90 [1] : vector<2048x128xf32> to vector<2048xf32>
    %broadcast_in_dim3A_92 = vector.shape_cast %reduce_sum3A_91 : vector<2048xf32> to vector<2048x1xf32>
    %max3A_93 = arith.constant 1.000000e-24 : f32
    %max3A_94 = vector.broadcast %max3A_93 : f32 to vector<2048x1xf32>
    %max3A_95 = arith.maximumf %broadcast_in_dim3A_92, %max3A_94 : vector<2048x1xf32>
    %rsqrt3A_96 = math.rsqrt %max3A_95 : vector<2048x1xf32>
    %mul3A_97 = vector.broadcast %rsqrt3A_96 : vector<2048x1xf32> to vector<2048x128xf32>
    %mul3A_98 = arith.mulf %add3A_88, %mul3A_97 : vector<2048x128xf32>
    %swap3A = arith.constant 0 : index
    %swap3A_99 = arith.constant 0 : index
    %swap3A_100 = vector.load %arg12[%swap3A, %swap3A_99] : memref<2048x128xf32, #tpu.memory_space<vmem>>, vector<2048x128xf32>
    tpu.vector_store %arg12[%swap3A, %swap3A_99], %mul3A_98 {strides = array<i32>} : memref<2048x128xf32, #tpu.memory_space<vmem>>, vector<2048x128xf32>,
    return
  }
  func.func @transform_0(%arg0: i32) -> (i32, i32) {
    %c0_i32 = arith.constant 0 : i32
    %c0_i32_0 = arith.constant 0 : i32
    return %arg0, %c0_i32 : i32, i32
  }
  func.func @transform_1(%arg0: i32) -> (i32, i32) {
    %c0_i32 = arith.constant 0 : i32
    %c0_i32_0 = arith.constant 0 : i32
    return %arg0, %c0_i32 : i32, i32
  }
  func.func @transform_2(%arg0: i32) -> (i32, i32) {
    %c0_i32 = arith.constant 0 : i32
    %c0_i32_0 = arith.constant 0 : i32
    %c0_i32_1 = arith.constant 0 : i32
    return %c0_i32, %c0_i32_0 : i32, i32
  }
  func.func @transform_3(%arg0: i32) -> (i32, i32) {
    %c0_i32 = arith.constant 0 : i32
    %c0_i32_0 = arith.constant 0 : i32
    %c0_i32_1 = arith.constant 0 : i32
    return %c0_i32, %c0_i32_0 : i32, i32
  }
  func.func @transform_4(%arg0: i32) -> (i32, i32) {
    %c0_i32 = arith.constant 0 : i32
    %c0_i32_0 = arith.constant 0 : i32
    %c0_i32_1 = arith.constant 0 : i32
    return %c0_i32, %c0_i32_0 : i32, i32
  }
  func.func @transform_5(%arg0: i32) -> (i32, i32) {
    %c0_i32 = arith.constant 0 : i32
    %c0_i32_0 = arith.constant 0 : i32
    %c0_i32_1 = arith.constant 0 : i32
    return %c0_i32, %c0_i32_0 : i32, i32
  }
  func.func @transform_6(%arg0: i32) -> (i32, i32) {
    %c0_i32 = arith.constant 0 : i32
    %c0_i32_0 = arith.constant 0 : i32
    %c0_i32_1 = arith.constant 0 : i32
    return %c0_i32, %c0_i32_0 : i32, i32
  }
  func.func @transform_7(%arg0: i32) -> (i32, i32) {
    %c0_i32 = arith.constant 0 : i32
    %c0_i32_0 = arith.constant 0 : i32
    %c0_i32_1 = arith.constant 0 : i32
    return %c0_i32, %c0_i32_0 : i32, i32
  }
  func.func @transform_8(%arg0: i32) -> (i32, i32) {
    %c0_i32 = arith.constant 0 : i32
    %c0_i32_0 = arith.constant 0 : i32
    %c0_i32_1 = arith.constant 0 : i32
    return %c0_i32, %c0_i32_0 : i32, i32
  }
  func.func @transform_9(%arg0: i32) -> (i32, i32) {
    %c0_i32 = arith.constant 0 : i32
    %c0_i32_0 = arith.constant 0 : i32
    %c0_i32_1 = arith.constant 0 : i32
    return %c0_i32, %c0_i32_0 : i32, i32
  }
  func.func @transform_10(%arg0: i32) -> (i32, i32) {
    %c0_i32 = arith.constant 0 : i32
    %c0_i32_0 = arith.constant 0 : i32
    %c0_i32_1 = arith.constant 0 : i32
    return %c0_i32, %c0_i32_0 : i32, i32
  }
  func.func @transform_11(%arg0: i32) -> (i32, i32) {
    %c0_i32 = arith.constant 0 : i32
    %c0_i32_0 = arith.constant 0 : i32
    return %arg0, %c0_i32 : i32, i32
  }
}

</mosaic_0001>

<sc_bundles>
// kernel: kernel.5.cloned.1.call-start
scs
__scs_entry_jumppad:
0x0: {  	(pc) =	sbr.rel $0x88, $3  }
0x1: {  	(tag) =	ssettag $0x0;
	lr =	simm.s32 $0x1  }
0x2: {  	[smem:$0x3F8F] =	sst lr;
	_ =	strace $0xD0000000  }
0x3: {  	_ = 	snop  }
0x4: {  	_ = 	snop  }
0x5: {  	_ = 	snop  }
0x6: {  	_ = 	snop  }
0x7: {  	_ = 	snop  }
__scs_overlays_trampoline_lowered:
0x8: {  	[smem:$0x3F9E] =	sst s0  }
0x9: {  	[smem:$0x3F9F] =	sst s1  }
0xa: {  	[smem:$0x3FA0] =	sst s2  }
0xb: {  	[smem:$0x3FA1] =	sst s3  }
0xc: {  	[smem:$0x3FA2] =	sst s4  }
0xd: {  	[smem:$0x3FA3] =	sst s5  }
0xe: {  	[smem:$0x3FA4] =	sst s6  }
0xf: {  	[smem:$0x3FA5] =	sst s7  }
0x10: {  	[smem:$0x3FA6] =	sst s8  }
0x11: {  	[smem:$0x3FA7] =	sst s9;
	s0 =	simm.s32 @!p0 $0x0  }
0x12: {  	s1 =	sld [smem:$0x3F8D];
	s0 =	simm.s32 @p0 $0x1  }
0x13: {  	[smem:$0x3FA8] =	sst s0;
	s0 =	simm.s32 @!p1 $0x0  }
0x14: {  	s2 =	sld [smem:$0x3F8C];
	s0 =	simm.s32 @p1 $0x1  }
0x15: {  	[smem:$0x3FA9] =	sst s0;
	s0 =	simm.s32 @!p2 $0x0  }
0x16: {  	s3 =	sld [smem:$0x3FDB];
	s0 =	simm.s32 @p2 $0x1  }
0x17: {  	s4 =	simm.s32 $0x1BF5;
	[smem:$0x3FAB] =	sst s0  }
0x18: {  	s0 =	sld [smem:$0x3F8E];
	_ =	swait.ge [sflag:s4], $0x0  }
0x19: {  	s7 =	sld [smem:$0x3F8F]  }
0x1a: {  	s8 =	sadd.s32 $0xFFFFE003, lr  }
0x1b: {  	s9 =	sadd.s32 $0xFFFFFEF7, lr;
	s5 =	simm.s32 $0xFFFFFFFF;
	p2 =	slt.u32 s8, $0xFFFFF086  }
0x1c: {  	p1 =	slt.u32 s9, $0xF7A;
	s5 =	simm.s32 @!p2 $0x0  }
0x1d: {  	s5 =	simm.s32 @p1 $0x1;
	p0 =	seq.s32 s7, s2  }
0x1e: {  	s7 =	smul.u32 @!p0 $0xF7A, s2;
	p2 =	seq.s32 @!p0 s5, $0x0  }
0x1f: {  	s9 =	smul.u32 $0xF7A, s1;
	s8 =	simm.s32 @!p0 $0x1BF5;
	p2 =	por !p2, p0  }
0x20: {  	[sflag:s8] =	ssyncset.s32 @!p0 $0xFFFFF086;
	s6 =	sadd.s32 @!p0 s3, s7;
	s7 =	simm.s32 @!p0 $0x108  }
0x21: {  	s3 =	sadd.s32 s3, s9;
	s6 =	sadd.s32 @!p0 $0x88, s6;
	s7 =	simm.s32 @p2 $0x1082  }
0x22: {  	[simem:s7], [sflag:s8] =	dma.local @!p0 [hbm:s6], $0xF7A  }
0x23: {  	s9 =	sor.u32 $0xD0000000, s2;
	s6 =	simm.s32 $0x108;
	_ =	swait.ge @!p0 [sflag:s8], $0x0  }
0x24: {  	s3 =	sadd.s32 $0x88, s3;
	s6 =	simm.s32 @!p1 $0x1082;
	[sflag:s4] =	ssyncset.s32 $0xFFFFF086  }
0x25: {  	[simem:s6], [sflag:s4] =	dma.local [hbm:s3], $0xF7A  }
0x26: {  	[smem:$0x3F8F] =	sst s1;
	(tag) =	ssettag s2;
	_ =	strace s9  }
0x27: {  	s1 =	sld [smem:$0x3F9F]  }
0x28: {  	s2 =	sld [smem:$0x3FA0]  }
0x29: {  	s4 =	sld [smem:$0x3FA2]  }
0x2a: {  	p0 =	seq.s32 s5, $0x0;
	s5 =	sld [smem:$0x3FA3]  }
0x2b: {  	s6 =	sld [smem:$0x3FA4]  }
0x2c: {  	s7 =	sld [smem:$0x3FA5]  }
0x2d: {  	s3 =	simm.s32 $0x108;
	s8 =	sld [smem:$0x3FA6]  }
0x2e: {  	s3 =	simm.s32 @!p0 $0x1082;
	s9 =	sld [smem:$0x3FA7]  }
0x2f: {  	lr =	sadd.s32 s0, s3;
	s0 =	sld [smem:$0x3F9E]  }
0x30: {  	s3 =	sld [smem:$0x3FA1]  }
0x31: {  	[smem:$0x3FAA] =	sst s10  }
0x32: {  	s10 =	sld [smem:$0x3FA8];
	_ =	sdelay $0x3  }
0x33: {  	p0 =	seq.s32 s10, $0x1;
	s10 =	sld [smem:$0x3FAA];
	_ =	sdelay $0x3  }
0x34: {  	[smem:$0x3FAA] =	sst s10  }
0x35: {  	s10 =	sld [smem:$0x3FA9];
	_ =	sdelay $0x3  }
0x36: {  	p1 =	seq.s32 s10, $0x1;
	s10 =	sld [smem:$0x3FAA];
	_ =	sdelay $0x3  }
0x37: {  	[smem:$0x3FAA] =	sst s10  }
0x38: {  	s10 =	sld [smem:$0x3FAB]  }
0x39: {  	_ = 	snop;
	(pc) =	sbr.ind lr, $3  }
0x3a: {  	_ = 	snop  }
0x3b: {  	_ = 	snop  }
0x3c: {  	p2 =	seq.s32 s10, $0x1;
	s10 =	sld [smem:$0x3FAA]  }
0x3d: {  	_ =	shalt  }
0x3e: {  	_ =	shalt  }
0x3f: {  	_ =	shalt  }
0x40: {  	_ =	shalt  }
0x41: {  	_ =	shalt  }
0x42: {  	_ =	shalt  }
0x43: {  	_ =	shalt  }
0x44: {  	_ =	shalt  }
0x45: {  	_ =	shalt  }
0x46: {  	_ =	shalt  }
0x47: {  	_ =	shalt  }
0x48: {  	_ =	shalt  }
0x49: {  	_ =	shalt  }
0x4a: {  	_ =	shalt  }
0x4b: {  	_ =	shalt  }
0x4c: {  	_ =	shalt  }
0x4d: {  	_ =	shalt  }
0x4e: {  	_ =	shalt  }
0x4f: {  	_ =	shalt  }
0x50: {  	_ =	shalt  }
0x51: {  	_ =	shalt  }
0x52: {  	_ =	shalt  }
0x53: {  	_ =	shalt  }
0x54: {  	_ =	shalt  }
0x55: {  	_ =	shalt  }
0x56: {  	_ =	shalt  }
0x57: {  	_ =	shalt  }
0x58: {  	_ =	shalt  }
0x59: {  	_ =	shalt  }
0x5a: {  	_ =	shalt  }
0x5b: {  	_ =	shalt  }
0x5c: {  	_ =	shalt  }
0x5d: {  	_ =	shalt  }
0x5e: {  	_ =	shalt  }
0x5f: {  	_ =	shalt  }
0x60: {  	_ =	shalt  }
0x61: {  	_ =	shalt  }
0x62: {  	_ =	shalt  }
0x63: {  	_ =	shalt  }
0x64: {  	_ =	shalt  }
0x65: {  	_ =	shalt  }
0x66: {  	_ =	shalt  }
0x67: {  	_ =	shalt  }
0x68: {  	_ =	shalt  }
0x69: {  	_ =	shalt  }
0x6a: {  	_ =	shalt  }
0x6b: {  	_ =	shalt  }
0x6c: {  	_ =	shalt  }
0x6d: {  	_ =	shalt  }
0x6e: {  	_ =	shalt  }
0x6f: {  	_ =	shalt  }
0x70: {  	_ =	shalt  }
0x71: {  	_ =	shalt  }
0x72: {  	_ =	shalt  }
0x73: {  	_ =	shalt  }
0x74: {  	_ =	shalt  }
0x75: {  	_ =	shalt  }
0x76: {  	_ =	shalt  }
0x77: {  	_ =	shalt  }
0x78: {  	_ =	shalt  }
0x79: {  	_ =	shalt  }
0x7a: {  	_ =	shalt  }
0x7b: {  	_ =	shalt  }
0x7c: {  	_ =	shalt  }
0x7d: {  	_ =	shalt  }
0x7e: {  	_ =	shalt  }
0x7f: {  	_ =	shalt  }
0x80: {  	_ =	shalt  }
0x81: {  	_ =	shalt  }
0x82: {  	_ =	shalt  }
0x83: {  	_ =	shalt  }
0x84: {  	_ =	shalt  }
0x85: {  	_ =	shalt  }
0x86: {  	_ =	shalt  }
0x87: {  	_ =	shalt  }
.Lfunc_end0:
.L_simem_size_0:
called_computation_lowered:
.L_overlay_start_0:
0x88: {  	s2 =	sld [smem:$0x3FD9]  }
0x89: {  	s3 =	sld [smem:$0x3FFE];
	_ =	sdelay $0x1  }
0x8a: {  	s1 =	srdreg.scid  }
0x8b: {  	s0 =	sand.u32 $0x1, s1  }
0x8c: {  	s17 =	sshll.u32 s0, $0xA;
	s2 =	sadd.s32 s3, s2  }
0x8d: {  	s2 =	sadd.s32 s2, s17  }
0x8e: {  	[smem:$0x3FB6] =	sst s2  }
0x8f: {  	_ = 	snop  }
0x90: {  	s2 =	sld [smem:$0x3FC9]  }
0x91: {  	s18 =	sld [smem:$0x3FC8]  }
0x92: {  	s4 =	sld [smem:$0x3FC7]  }
0x93: {  	s5 =	sld [smem:$0x3FC6]  }
0x94: {  	s6 =	sld [smem:$0x3FC5]  }
0x95: {  	s7 =	sld [smem:$0x3FD0];
	(tm) =	ssettm $0x1  }
0x96: {  	s8 =	sld [smem:$0x3FFB];
	_ =	sdelay $0x3  }
0x97: {  	_ =	strace s8  }
0x98: {  	s8 =	sld [smem:$0x3FFC];
	_ =	sdelay $0x3  }
0x99: {  	_ =	strace s8  }
0x9a: {  	s8 =	sld [smem:$0x3FFD];
	_ =	sdelay $0x3  }
0x9b: {  	_ =	strace s8  }
0x9c: {  	_ =	strace $0x8FFFFFFF  }
0x9d: {  	s19 =	sld [smem:$0x3FDB];
	_ =	sdelay $0x1  }
0x9e: {  	s9 =	simm.s32 $_scs_section_size  }
0x9f: {  	s10 =	simm.s32 $_size__tile_overlayer_lowered;
	s11 =	simm.s32 $_tile_overlayer_lowered  }
0xa0: {  	s22 =	simm.s32 $0x1BFF;
	s21 =	sshll.u32 s11, $0x1;
	s8 =	sadd.s32 s9, s19  }
0xa1: {  	s12 =	simm.s32 $0x0;
	s20 =	sshll.u32 s10, $0x1;
	s10 =	sadd.s32 s21, s8  }
0xa2: {  	[timem:s12], [sflag:s22] =	dma.local [hbm:s10], s20  }
0xa3: {  	_ =	swait.ge [sflag:s22], s20  }
0xa4: {  	s9 =	ssub.s32 $0x0, s20;
	[sflag:s22] =	ssyncset.done $0x0  }
0xa5: {  	[sflag:s22] =	ssyncadd.s32 s9;
	_ =	sdelay $0x1  }
0xa6: {  	s23 =	simm.s32 $0x1B8B  }
0xa7: {  	_ =	swait.ge [sflag:s23], $0x1  }
0xa8: {  	[sflag:s23] =	ssyncset.done $0x0  }
0xa9: {  	s25 =	simm.s32 $0x1B8E;
	s24 =	sld [smem:$0x3FFE];
	[sflag:s23] =	ssyncadd.s32 $0xFFFFFFFF  }
0xaa: {  	s26 =	simm.s32 $execute0_lowered;
	[smem:$0x3FD2] =	sst s25  }
0xab: {  	s10 =	sshll.u32 s26, $0x1;
	_ =	strace $0x80000046;
	[dreg:$0x1] =	wrdreg $0xFFFFFFFF  }
0xac: {  	s28 =	simm.s32 $_size_execute0_lowered;
	s8 =	sadd.s32 s8, s10;
	[dreg:$0x0] =	wrdreg $0x0  }
0xad: {  	s10 =	sshll.u32 s28, $0x1;
	[dreg:$0x2] =	wrdreg s8  }
0xae: {  	[dreg:$0x3] =	wrdreg s10  }
0xaf: {  	[dreg:$0x4] =	wrdreg $0xC0  }
0xb0: {  	_ =	task [dreg:s12], $0x5FFFF  }
0xb1: {  	[dreg:$0x1] =	wrdreg $0xFFFFFFFF  }
0xb2: {  	[dreg:$0x0] =	wrdreg $0x60  }
0xb3: {  	[dreg:$0x2] =	wrdreg s6  }
0xb4: {  	[dreg:$0x3] =	wrdreg s24  }
0xb5: {  	[dreg:$0x4] =	wrdreg s2  }
0xb6: {  	[dreg:$0x5] =	wrdreg s18  }
0xb7: {  	[dreg:$0x6] =	wrdreg s4  }
0xb8: {  	[dreg:$0x7] =	wrdreg s5  }
0xb9: {  	[dreg:$0x8] =	wrdreg s7  }
0xba: {  	[dreg:$0x9] =	wrdreg $0x9  }
0xbb: {  	_ =	task.clear_ibuf [dreg:s12], $0xAFFFF;
	_ =	strace $0x90000046  }
0xbc: {  	s29 =	simm.s32 $0x9;
	_ =	strace $0x80000048  }
0xbd: {  	_ =	swait.ge [sflag:s29], $0x1  }
0xbe: {  	[sflag:s29] =	ssyncadd.s32 $0xFFFFFFFF  }
0xbf: {  	_ =	strace $0x90000048  }
0xc0: {  	_ =	sfence  }
0xc1: {  	s30 =	sld [smem:$0x0];
	_ =	sdelay $0x2  }
0xc2: {  	s31 =	sshll.u32 s1, $0xD;
	s1 =	sshrl.u32 s1, $0x2  }
0xc3: {  	s3 =	sand.u32 $0x4000, s31;
	s1 =	sadd.s32 s1, s30  }
0xc4: {  	s0 =	sor.u32 s3, s0;
	s1 =	sshll.u32 s1, $0x11  }
0xc5: {  	s0 =	sor.u32 s1, s0  }
0xc6: {  	s0 =	sadd.s32 $0x8F2B, s0  }
0xc7: {  	[sflag:s0] =	ssyncadd.remote.s32 $0x1  }
0xc8: {  	_ =	sfence.sel $0xFFFF  }
0xc9: {  	[dreg:$0x0] =	wrdreg $0xFFFFFFFF;
	(pc) =	sbr.abs _section_cstart, $3  }
0xca: {  	[dreg:$0x1] =	wrdreg $0xFFFFFFFF  }
0xcb: {  	_ =	task.clear_ibuf [dreg:s12], $0x2FFFF;
	_ =	strace $0x9FFFFFFF  }
0xcc: {  	(tm) =	ssettm $0x7FFFFFFF  }
0xcd: {  	_ =	shalt  }
tec
execute0_lowered:
.L_overlay_start_1:
0x0: {  	(tag) =	ssettag $0x1  }
0x1: {  	s0 =	rddreg [dreg:$0x0]  }
0x2: {  	s5 =	rddreg [dreg:$0x1]  }
0x3: {  	s6 =	rddreg [dreg:$0x2]  }
0x4: {  	s7 =	rddreg [dreg:$0x3]  }
0x5: {  	s8 =	rddreg [dreg:$0x4]  }
0x6: {  	s9 =	rddreg [dreg:$0x5]  }
0x7: {  	s10 =	rddreg [dreg:$0x6]  }
0x8: {  	s1 =	rddreg [dreg:$0x7];
	s4 =	srdreg.scid  }
0x9: {  	s3 =	simm.s32 $0x0;
	s2 =	stileid.u32;
	s16 =	simm.s32 $0x600  }
0xa: {  	s17 =	simm.s32 $0x1;
	s18 =	simm.s32 $0x800;
	s19 =	simm.s32 $0x0  }
0xb: {  	s4 =	sand.u32 $0x1, s4;
	[smem:$0x7FF] =	sst s3;
	s11 =	sshll.u32 s2, $0xA  }
0xc: {  	s12 =	sshll.u32 s4, $0x9;
	_ =	strace $0x80000047;
	s31 =	ssub.s32 $0x2, s4  }
0xd: {  	s4 =	sadd.s32 $0x2800, s5;
	s11 =	sor.u32 s12, s11;
	s14 =	sshrl.u32 s31, $0x1  }
0xe: {  	s13 =	sshll.u32 s11, $0x4;
	s12 =	ssub.s32 s31, s14;
	s11 =	sshrl.u32 s11, $0x3  }
0xf: {  	s14 =	simm.s32 $0xA00;
	s15 =	sadd.s32 s13, s5;
	s5 =	sadd.s32 s6, s11  }
0x10: {  	s6 =	sadd.s32 s7, s11;
	s7 =	sadd.s32 s8, s11;
	s8 =	sadd.s32 s9, s11  }
0x11: {  	s9 =	sadd.s32 s10, s13;
	s11 =	smax.u32 s12, $0x1;
	s12 =	simm.s32 $0x2  }
0x12: {  	s13 =	simm.s32 $0x200;
	s10 =	sadd.s32 $0x3C00, s15;
	s15 =	simm.s32 $0x400  }
.LBB2_1:
0x13: {  	[tilespmem:s3], [sflag:$0x2] =	stream.linear.gather [hbm4b:s5+s3], $0x200, $0x38;
	[tilespmem:$0x10A00] =	vst v63  }
0x14: {  	_ =	swait.ge [sflag:s12], $0x200  }
0x15: {  	[sflag:s12] =	ssyncset.done $0x0  }
0x16: {  	[sflag:s12] =	ssyncadd.s32 $0xFFFFFE00  }
0x17: {  	[tilespmem:s14], [sflag:$0x1] =	stream.indirect.gather [hbm4b:s0+s13], $0x80, s3, s13, $0xb8;
	[tilespmem:$0x10A00] =	vst v63  }
0x18: {  	_ = 	snop  }
0x19: {  	[tilespmem:s13], [sflag:$0x2] =	stream.linear.gather [hbm4b:s6+s3], $0x200, $0x38;
	[tilespmem:$0x10A00] =	vst v63  }
0x1a: {  	_ =	swait.ge [sflag:s12], $0x200  }
0x1b: {  	[sflag:s12] =	ssyncset.done $0x0  }
0x1c: {  	[sflag:s12] =	ssyncadd.s32 $0xFFFFFE00  }
0x1d: {  	[tilespmem:s15], [sflag:$0x2] =	stream.linear.gather [hbm4b:s7+s3], $0x200, $0x38;
	[tilespmem:$0x10A00] =	vst v63  }
0x1e: {  	_ =	swait.ge [sflag:s12], $0x200  }
0x1f: {  	[sflag:s12] =	ssyncset.done $0x0  }
0x20: {  	[sflag:s12] =	ssyncadd.s32 $0xFFFFFE00  }
0x21: {  	[tilespmem:s16], [sflag:$0x2] =	stream.linear.gather [hbm4b:s8+s3], $0x200, $0x38;
	[tilespmem:$0x10A00] =	vst v63  }
0x22: {  	_ =	swait.ge [sflag:s12], $0x200  }
0x23: {  	[sflag:s12] =	ssyncset.done $0x0  }
0x24: {  	s20 =	simm.s32 $0x0;
	[sflag:s12] =	ssyncadd.s32 $0xFFFFFE00  }
0x25: {  	v0 =	vld [tilespmem:s20+$0x200];
	_ =	sdelay $0x1  }
0x26: {  	v1 =	vld [tilespmem:s20+$0x400];
	_ =	sdelay $0x2  }
0x27: {  	v0 =	vmul.u32 $0x7, v0  }
0x28: {  	s21 =	simm.s32 $0x10;
	v2 =	vld [tilespmem:s20+$0x600]  }
0x29: {  	v0 =	vadd.s32 v1, v0;
	v1 =	vld [tilespmem:s21+$0x200];
	_ =	sdelay $0x1  }
0x2a: {  	v3 =	vmul.u32 $0x15, v0;
	v0 =	vld [tilespmem:s21+$0x400];
	_ =	sdelay $0x1  }
0x2b: {  	s22 =	simm.s32 $0x80;
	v2 =	vadd.s32 v2, v3  }
.LBB2_2:
0x2c: {  	s23 =	sshra.s32 s22, $0x2;
	p0 =	sne.s32 s22, $0x7C0;
	s22 =	sadd.s32 $0x40, s22;
	v3 =	vmul.u32 $0x7, v1;
	v4 =	vld [tilespmem:s21+$0x600];
	[tilespmem:s20+$0x800] =	vst v2  }
.Ltmp0:
0x2d: {  	s20 =	smov.u32 s21;
	v1 =	vld [tilespmem:s23+$0x200];
	s21 =	smov.u32 s23;
	(pc) =	sbr.rel @p0 .LBB2_2-.Ltmp0, $3  }
0x2e: {  	v2 =	vadd.s32 v0, v3  }
0x2f: {  	v0 =	vld [tilespmem:s21+$0x400];
	v2 =	vmul.u32 $0x15, v2;
	_ =	sdelay $0x1  }
0x30: {  	v2 =	vadd.s32 v4, v2  }
0x31: {  	v1 =	vmul.u32 $0x7, v1;
	v3 =	vld [tilespmem:s21+$0x600];
	_ =	sdelay $0x1  }
0x32: {  	v0 =	vadd.s32 v0, v1  }
0x33: {  	v0 =	vmul.u32 $0x15, v0;
	_ =	sdelay $0x1  }
0x34: {  	[tilespmem:s20+$0x800] =	vst v2;
	v0 =	vadd.s32 v3, v0  }
0x35: {  	[tilespmem:s21+$0x800] =	vst v0  }
0x36: {  	_ =	swait.ge [sflag:s17], $0x10000  }
0x37: {  	[sflag:s17] =	ssyncset.done $0x0  }
0x38: {  	[sflag:s17] =	ssyncadd.s32 $0xFFFF0000  }
0x39: {  	[hbm4b:s9+s3] =	stream.linear.scatter [tilespmem:s14], [sflag:$0x2], $0x10000, $0x38;
	[tilespmem:$0x10A00] =	vst v63  }
0x3a: {  	_ =	swait.ge [sflag:s12], $0x10000  }
0x3b: {  	[sflag:s12] =	ssyncset.done $0x0  }
0x3c: {  	[sflag:s12] =	ssyncadd.s32 $0xFFFF0000  }
0x3d: {  	[tilespmem:s14], [sflag:$0x1] =	stream.indirect.gather [hbm4b:s4+s13], $0x80, s18, s13, $0xb8;
	[tilespmem:$0x10A00] =	vst v63  }
0x3e: {  	s19 =	sadd.s32 $0x1, s19;
	_ =	swait.ge [sflag:s17], $0x10000  }
0x3f: {  	p0 =	sne.s32 s19, s11;
	[sflag:s17] =	ssyncset.done $0x0  }
.Ltmp1:
0x40: {  	[sflag:s17] =	ssyncadd.s32 $0xFFFF0000;
	(pc) =	sbr.rel @p0 .LBB2_1-.Ltmp1, $4  }
0x41: {  	[hbm4b:s10+s3] =	stream.linear.scatter [tilespmem:s14], [sflag:$0x2], $0x10000, $0x38;
	[tilespmem:$0x10A00] =	vst v63  }
0x42: {  	_ =	swait.ge [sflag:s12], $0x10000  }
0x43: {  	[sflag:s12] =	ssyncset.done $0x0  }
0x44: {  	[sflag:s12] =	ssyncadd.s32 $0xFFFF0000  }
0x45: {  	_ =	sfence.sel $0x180000  }
0x46: {  	[bflag:$0x0] =	sbarrier.arrive $0xFFFF  }
0x47: {  	p0 =	sne.s32 s2, $0x0;
	_ =	strace $0x90000047  }
0x48: {  	s0 =	sadd.s32 @!p0 $0x100000, s1;
	[bflag:$0x2] =	sbarrier.arrive $0xFFFF  }
0x49: {  	[sflag:s0] =	ssyncadd.tile.s32 @!p0 $0x1;
	_ =	shalt  }
.Lfunc_end2:
_tile_overlayer_lowered:
.L_overlay_start_2:
0x4a: {  	(tag) =	ssettag $0x2  }
0x4b: {  	s0 =	rddreg [dreg:$0x0];
	s2 =	stileid.u32  }
0x4c: {  	s1 =	rddreg [dreg:$0x1];
	p0 =	sne.s32 s2, $0x0  }
0x4d: {  	s3 =	rddreg [dreg:$0x2];
	[bflag:$0x3] =	sbarrier.arrive $0xFFFF;
	s2 =	simm.s32 @!p0 $0x1C02  }
0x4e: {  	[timem:s3], [sflag:s2] =	dma.local @!p0 [hbm:s0], s1  }
0x4f: {  	s0 =	simm.s32 @!p0 $0x2  }
0x50: {  	_ =	swait.ge @!p0 [sflag:s0], s1  }
0x51: {  	s1 =	ssub.s32 @!p0 $0x0, s1;
	[sflag:s0] =	ssyncset.done @!p0 $0x0  }
0x52: {  	[sflag:s0] =	ssyncadd.s32 @!p0 s1  }
0x53: {  	[bflag:$0x3] =	sbarrier.arrive $0xFFFF  }
0x54: {  	_ =	shalt  }

</sc_bundles>
